<compile_context>
chip_gen: v7x
topology: tpu7x:2x2x1
jax: 0.10.2.dev20260603
libtpu: 0.0.44.dev20260713+nightly
codegen_flags: <defaults>
</compile_context>

<pallas_src>
import functools
import math

import jax
import jax.numpy as jnp
from jax import lax
from jax.experimental import pallas as pl
from jax.experimental.pallas import tpu as pltpu
from jax.experimental.pallas import tpu_sc as plsc

PI = math.pi

_N_NODES = 10000
_N_PAD = 10240
_N_SENT = 10256
_N_EDGES = 160000
_N_OCC = 320000
_K = 3
_NG = 64

_SC_PARAMS = pltpu.CompilerParams(needs_layout_passes=False)
_F32 = jnp.float32
_I32 = jnp.int32


def _leaky(x):
    return jnp.where(x >= 0, x, 0.01 * x)




def _node_mlp_body(x_ref, w1_ref, b1_ref, w2_ref, b2_ref, o_ref):
    h = _leaky(jnp.dot(x_ref[...], w1_ref[...], preferred_element_type=_F32)
               + b1_ref[...])
    o = jnp.dot(h, w2_ref[...], preferred_element_type=_F32) + b2_ref[...]
    o_ref[...] = jnp.tanh(o) * PI


def _node_mlp(x, w1, b1, w2, b2):
    blk = 2000
    grid = _N_NODES // blk
    return pl.pallas_call(
        _node_mlp_body,
        grid=(grid,),
        in_specs=[
            pl.BlockSpec((blk, 128), lambda i: (i, 0)),
            pl.BlockSpec((128, 128), lambda i: (0, 0)),
            pl.BlockSpec((1, 128), lambda i: (0, 0)),
            pl.BlockSpec((128, 2), lambda i: (0, 0)),
            pl.BlockSpec((1, 2), lambda i: (0, 0)),
        ],
        out_specs=pl.BlockSpec((blk, 2), lambda i: (i, 0)),
        out_shape=jax.ShapeDtypeStruct((_N_NODES, 2), _F32),
    )(x, w1, b1, w2, b2)




def _edge_mlp(x, w1, b1, w2, b2):
    blk = 8000
    grid = _N_EDGES // blk
    return pl.pallas_call(
        _node_mlp_body,
        grid=(grid,),
        in_specs=[
            pl.BlockSpec((blk, 16), lambda i: (i, 0)),
            pl.BlockSpec((16, 128), lambda i: (0, 0)),
            pl.BlockSpec((1, 128), lambda i: (0, 0)),
            pl.BlockSpec((128, 2), lambda i: (0, 0)),
            pl.BlockSpec((1, 2), lambda i: (0, 0)),
        ],
        out_specs=pl.BlockSpec((blk, 2), lambda i: (i, 0)),
        out_shape=jax.ShapeDtypeStruct((_N_EDGES, 2), _F32),
    )(x, w1, b1, w2, b2)



_CH = 8000
_NCH = _N_OCC // _CH


def _sc_build_tables(occ_node, occ_nbr, zeros_tab):
    mesh = plsc.VectorSubcoreMesh(core_axis_name="c", subcore_axis_name="s")

    @functools.partial(
        pl.kernel,
        out_type=(
            jax.ShapeDtypeStruct((_N_PAD * _K,), _I32),
            jax.ShapeDtypeStruct((_N_PAD * _K,), _I32),
            jax.ShapeDtypeStruct((_N_PAD,), _I32),
        ),
        mesh=mesh,
        compiler_params=_SC_PARAMS,
        scratch_types=[
            pltpu.VMEM((_CH,), _I32),
            pltpu.VMEM((_CH,), _I32),
            pltpu.VMEM((_N_PAD * _K,), _I32),
            pltpu.VMEM((_N_PAD * _K,), _I32),
            pltpu.VMEM((_N_SENT,), _I32),
        ],
    )
    def k(occn_hbm, occb_hbm, z_hbm, nbrn_o, nbre_o, cnt_o, bn, bb, tn, te, tcnt):
        wid = lax.axis_index("s") * 2 + lax.axis_index("c")

        @pl.when(wid == 0)
        def _():
            pltpu.sync_copy(z_hbm, tn)
            pltpu.sync_copy(z_hbm, te)
            pltpu.sync_copy(z_hbm.at[pl.ds(0, _N_SENT)], tcnt)
            iota = lax.iota(_I32, 16)
            ones = jnp.ones((16,), _I32)

            def chunk(kk, carry):
                pltpu.sync_copy(occn_hbm.at[pl.ds(kk * _CH, _CH)], bn)
                pltpu.sync_copy(occb_hbm.at[pl.ds(kk * _CH, _CH)], bb)

                def step(i, c2):
                    node = bn[pl.ds(i * 16, 16)]
                    nbr = bb[pl.ds(i * 16, 16)]
                    pos = kk * _CH + i * 16 + iota
                    eid = lax.shift_right_logical(pos, 1)
                    valid = node != nbr
                    node_eff = jnp.where(valid, node, _N_PAD + iota)
                    cl, _m = plsc.scan_count(node_eff)
                    base = plsc.load_gather(tcnt, [node_eff])
                    rank = base + cl - 1
                    ok = valid & (rank < _K)
                    addr = node * _K + jnp.clip(rank, 0, _K - 1)
                    plsc.store_scatter(tn, [addr], nbr, mask=ok)
                    plsc.store_scatter(te, [addr], eid, mask=ok)
                    plsc.addupdate_scatter(tcnt, [node_eff], ones)
                    return c2

                return lax.fori_loop(0, _CH // 16, step, carry)

            lax.fori_loop(0, _NCH, chunk, 0)
            pltpu.sync_copy(tn, nbrn_o)
            pltpu.sync_copy(te, nbre_o)
            pltpu.sync_copy(tcnt.at[pl.ds(0, _N_PAD)], cnt_o)

    return k(occ_node, occ_nbr, zeros_tab)



_NPW = _N_PAD // 32
_EW = 80


def _sc_gather(nf_flat, ef0, ef1, tn, te):
    mesh = plsc.VectorSubcoreMesh(core_axis_name="c", subcore_axis_name="s")

    @functools.partial(
        pl.kernel,
        out_type=(
            jax.ShapeDtypeStruct((_N_PAD * 8,), _F32),
            jax.ShapeDtypeStruct((_N_PAD * 6,), _F32),
        ),
        mesh=mesh,
        compiler_params=_SC_PARAMS,
        scratch_types=[
            pltpu.VMEM((_N_PAD * 2,), _F32),
            pltpu.VMEM((_NPW * _K,), _I32),
            pltpu.VMEM((_NPW * _K,), _I32),
            pltpu.VMEM((_NPW * 8,), _F32),
            pltpu.VMEM((_NPW * 6,), _F32),
            pltpu.VMEM((_EW,), _F32),
            pltpu.VMEM((_EW,), _F32),
            pltpu.SemaphoreType.DMA,
        ],
    )
    def k(nf_hbm, ef0_hbm, ef1_hbm, tn_hbm, te_hbm, nfeat_o, efeat_o,
          nft, tn_l, te_l, nfb, efb, rows0, rows1, sem):
        wid = lax.axis_index("s") * 2 + lax.axis_index("c")
        base = wid * _NPW
        pltpu.sync_copy(nf_hbm, nft)
        pltpu.sync_copy(tn_hbm.at[pl.ds(base * _K, _NPW * _K)], tn_l)
        pltpu.sync_copy(te_hbm.at[pl.ds(base * _K, _NPW * _K)], te_l)
        iota = lax.iota(_I32, 16)

        def nstep(i, carry):
            l = i * 16 + iota
            gid2 = (base + l) * 2
            for c in (0, 1):
                v = plsc.load_gather(nft, [gid2 + c])
                plsc.store_scatter(nfb, [l * 8 + c], v)
            for s in range(_K):
                ids2 = plsc.load_gather(tn_l, [l * _K + s]) * 2
                for c in (0, 1):
                    v = plsc.load_gather(nft, [ids2 + c])
                    plsc.store_scatter(nfb, [l * 8 + (s + 1) * 2 + c], v)
            return carry

        lax.fori_loop(0, _NPW // 16, nstep, 0)

        def estep(w, carry):
            idx = te_l.at[pl.ds(w * _EW, _EW)]
            cp0 = pltpu.async_copy(ef0_hbm.at[idx], rows0, sem)
            cp1 = pltpu.async_copy(ef1_hbm.at[idx], rows1, sem)
            cp0.wait()
            cp1.wait()
            for j in range(_EW // 16):
                p = w * _EW + j * 16 + iota
                node = p // _K
                slot = p - node * _K
                v0 = rows0[pl.ds(j * 16, 16)]
                v1 = rows1[pl.ds(j * 16, 16)]
                addr = node * 6 + slot * 2
                plsc.store_scatter(efb, [addr], v0)
                plsc.store_scatter(efb, [addr + 1], v1)
            return carry

        lax.fori_loop(0, _NPW * _K // _EW, estep, 0)
        pltpu.sync_copy(nfb, nfeat_o.at[pl.ds(base * 8, _NPW * 8)])
        pltpu.sync_copy(efb, efeat_o.at[pl.ds(base * 6, _NPW * 6)])

    return k(nf_flat, ef0, ef1, tn, te)




def _finish_body(nfeat_ref, efeat_ref, nf_ref, cnt_ref, batch_ref,
                 wqe_ref, wqn_ref, wu1a_ref, wu1b_ref, bu1_ref, wu2_ref,
                 bu2_ref, wh1_ref, bh1_ref, wh2_ref, bh2_ref,
                 o_ref, sums_ref, counts_ref, *, nblk):
    pid = pl.program_id(0)
    nf = nf_ref[...]
    msg = jnp.tanh(
        jnp.dot(efeat_ref[...], wqe_ref[...], preferred_element_type=_F32)
        + jnp.dot(nfeat_ref[...], wqn_ref[...], preferred_element_type=_F32))
    h = _leaky(jnp.dot(nf, wu1a_ref[...], preferred_element_type=_F32)
               + msg * wu1b_ref[...] + bu1_ref[...])
    upd = jnp.dot(h, wu2_ref[...], preferred_element_type=_F32) + bu2_ref[...]
    center = cnt_ref[...] >= _K
    nf2 = jnp.where(center, upd, 0.0) + nf
    onehot = (batch_ref[...] ==
              lax.broadcasted_iota(_I32, (nf.shape[0], _NG), 1)).astype(_F32)
    s_blk = lax.dot_general(onehot, nf2, (((0,), (0,)), ((), ())),
                            preferred_element_type=_F32)
    c_blk = lax.dot_general(onehot, jnp.ones((nf.shape[0], 1), _F32),
                            (((0,), (0,)), ((), ())),
                            preferred_element_type=_F32)

    @pl.when(pid == 0)
    def _():
        sums_ref[...] = s_blk
        counts_ref[...] = c_blk

    @pl.when(pid > 0)
    def _():
        sums_ref[...] += s_blk
        counts_ref[...] += c_blk

    @pl.when(pid == nblk - 1)
    def _():
        ge = sums_ref[...] / jnp.clip(counts_ref[...], 1.0)
        hh = _leaky(jnp.dot(ge, wh1_ref[...], preferred_element_type=_F32)
                    + bh1_ref[...])
        o_ref[...] = jnp.dot(hh, wh2_ref[...],
                             preferred_element_type=_F32) + bh2_ref[...]


def _finish(nfeat, efeat, nf, cnt2d, batch2d,
            wqe, wqn, wu1a, wu1b, bu1, wu2, bu2, wh1, bh1, wh2, bh2):
    blk = 2000
    nblk = _N_NODES // blk
    fixed = lambda r, c: (lambda i: (0, 0))
    return pl.pallas_call(
        functools.partial(_finish_body, nblk=nblk),
        grid=(nblk,),
        in_specs=[
            pl.BlockSpec((blk, 8), lambda i: (i, 0)),
            pl.BlockSpec((blk, 6), lambda i: (i, 0)),
            pl.BlockSpec((blk, 2), lambda i: (i, 0)),
            pl.BlockSpec((blk, 1), lambda i: (i, 0)),
            pl.BlockSpec((blk, 1), lambda i: (i, 0)),
            pl.BlockSpec((6, 1), fixed(6, 1)),
            pl.BlockSpec((8, 1), fixed(8, 1)),
            pl.BlockSpec((2, 128), fixed(2, 128)),
            pl.BlockSpec((1, 128), fixed(1, 128)),
            pl.BlockSpec((1, 128), fixed(1, 128)),
            pl.BlockSpec((128, 2), fixed(128, 2)),
            pl.BlockSpec((1, 2), fixed(1, 2)),
            pl.BlockSpec((2, 2), fixed(2, 2)),
            pl.BlockSpec((1, 2), fixed(1, 2)),
            pl.BlockSpec((2, 2), fixed(2, 2)),
            pl.BlockSpec((1, 2), fixed(1, 2)),
        ],
        out_specs=pl.BlockSpec((_NG, 2), lambda i: (0, 0)),
        out_shape=jax.ShapeDtypeStruct((_NG, 2), _F32),
        scratch_shapes=[
            pltpu.VMEM((_NG, 2), _F32),
            pltpu.VMEM((_NG, 1), _F32),
        ],
    )(nfeat, efeat, nf, cnt2d, batch2d,
      wqe, wqn, wu1a, wu1b, bu1, wu2, bu2, wh1, bh1, wh2, bh2)




def kernel(node_feat, edge_attr, edge_index, batch,
           Wn1, bn1, Wn2, bn2, We1, be1, We2, be2, wq,
           Wu1, bu1, Wu2, bu2, Wh1, bh1, Wh2, bh2):
    src = edge_index[0].astype(_I32)
    dst = edge_index[1].astype(_I32)
    occ_node = jnp.stack([src, dst], axis=1).reshape(-1)
    occ_nbr = jnp.stack([dst, src], axis=1).reshape(-1)
    zeros_tab = jnp.zeros((_N_PAD * _K,), _I32)

    nf = _node_mlp(node_feat, Wn1, bn1.reshape(1, -1), Wn2, bn2.reshape(1, -1))
    ef = _edge_mlp(edge_attr, We1, be1.reshape(1, -1), We2, be2.reshape(1, -1))
    tn, te, cnt = _sc_build_tables(occ_node, occ_nbr, zeros_tab)

    nf_flat = jnp.zeros((_N_PAD, 2), _F32).at[:_N_NODES].set(nf).reshape(-1)
    nfeat_flat, efeat_flat = _sc_gather(nf_flat, ef[:, 0], ef[:, 1], tn, te)
    nfeat = nfeat_flat.reshape(_N_PAD, 8)[:_N_NODES]
    efeat = efeat_flat.reshape(_N_PAD, 6)[:_N_NODES]

    return _finish(
        nfeat, efeat, nf,
        cnt[:_N_NODES].reshape(_N_NODES, 1),
        batch.astype(_I32).reshape(_N_NODES, 1),
        wq[:6], wq[6:],
        Wu1[:2], Wu1[2:3], bu1.reshape(1, -1), Wu2, bu2.reshape(1, -1),
        Wh1, bh1.reshape(1, -1), Wh2, bh2.reshape(1, -1))

# --- scband reference (transcript-rebuilt; emitter-appended) ---
"""Pipeline reference for scband-qgnngraph-classifier-44272522887298 (READ-ONLY COPY).

The authoritative reference and input builder live on the scoring server;
editing this copy changes nothing except your own understanding.
"""

import jax, jax.numpy as jnp
import numpy as np

PI = float(np.pi)
N_NODES = 10000
N_EDGES = 160000
NODE_IN = 128
EDGE_IN = 16
HIDDEN = 128
PQC_DIM = 2
GRAPHLET = 4
K_NBR = GRAPHLET - 1
NUM_CLASSES = 2
N_GRAPHS = 64


def mlp2(x, W1, b1, W2, b2):
    h = jax.nn.leaky_relu(x @ W1 + b1, negative_slope=0.01)
    return h @ W2 + b2


def input_process(t):
    return jnp.tanh(t) * PI


def build_star_subgraphs(edge_index, n_nodes, k):
    src = edge_index[0]
    dst = edge_index[1]
    eids = jnp.arange(src.shape[0], dtype=src.dtype)
    nbr_n0 = jnp.zeros((n_nodes, k), src.dtype)
    nbr_e0 = jnp.zeros((n_nodes, k), src.dtype)
    cnt0 = jnp.zeros((n_nodes,), jnp.int32)

    def step(carry, ev):
        nbr_n, nbr_e, cnt = carry
        u, v, e = ev
        valid = u != v
        cu = cnt[u]
        do_u = valid & (cu < k)
        su = jnp.minimum(cu, k - 1)
        nbr_n = nbr_n.at[u, su].set(jnp.where(do_u, v, nbr_n[u, su]))
        nbr_e = nbr_e.at[u, su].set(jnp.where(do_u, e, nbr_e[u, su]))
        cnt = cnt.at[u].add(do_u.astype(cnt.dtype))
        cv = cnt[v]
        do_v = valid & (cv < k)
        sv = jnp.minimum(cv, k - 1)
        nbr_n = nbr_n.at[v, sv].set(jnp.where(do_v, u, nbr_n[v, sv]))
        nbr_e = nbr_e.at[v, sv].set(jnp.where(do_v, e, nbr_e[v, sv]))
        cnt = cnt.at[v].add(do_v.astype(cnt.dtype))
        return (nbr_n, nbr_e, cnt), None

    (nbr_n, nbr_e, cnt), _ = jax.lax.scan(step, (nbr_n0, nbr_e0, cnt0), (src, dst, eids))
    center_mask = cnt >= k
    return center_mask, nbr_n, nbr_e


def setup_inputs(seed: int = 0):
    key = jax.random.key(seed)
    ks = jax.random.split(key, 16)
    node_feat = jax.random.normal(ks[0], (N_NODES, NODE_IN), jnp.float32)
    edge_attr = jax.random.normal(ks[1], (N_EDGES, EDGE_IN), jnp.float32)
    edge_index = jax.random.randint(ks[2], (2, N_EDGES), 0, N_NODES, jnp.int32).astype(jnp.int64)
    batch = jnp.sort(jax.random.randint(ks[3], (N_NODES,), 0, N_GRAPHS, jnp.int32)).astype(jnp.int64)

    def w(k, shape):
        return jax.random.normal(k, shape, jnp.float32) * 0.05

    inp = {
        'node_feat': node_feat,
        'edge_attr': edge_attr,
        'edge_index': edge_index,
        'batch': batch,
        'Wn1': w(ks[4], (NODE_IN, HIDDEN)), 'bn1': jnp.zeros((HIDDEN,), jnp.float32),
        'Wn2': w(ks[5], (HIDDEN, PQC_DIM)), 'bn2': jnp.zeros((PQC_DIM,), jnp.float32),
        'We1': w(ks[6], (EDGE_IN, HIDDEN)), 'be1': jnp.zeros((HIDDEN,), jnp.float32),
        'We2': w(ks[7], (HIDDEN, PQC_DIM)), 'be2': jnp.zeros((PQC_DIM,), jnp.float32),
        'wq': w(ks[8], (K_NBR * PQC_DIM + GRAPHLET * PQC_DIM, 1)),
        'Wu1': w(ks[9], (PQC_DIM + 1, HIDDEN)), 'bu1': jnp.zeros((HIDDEN,), jnp.float32),
        'Wu2': w(ks[10], (HIDDEN, PQC_DIM)), 'bu2': jnp.zeros((PQC_DIM,), jnp.float32),
        'Wh1': w(ks[11], (PQC_DIM, NUM_CLASSES)), 'bh1': jnp.zeros((NUM_CLASSES,), jnp.float32),
        'Wh2': w(ks[12], (NUM_CLASSES, NUM_CLASSES)), 'bh2': jnp.zeros((NUM_CLASSES,), jnp.float32),
    }
    return inp


def reference(node_feat, edge_attr, edge_index, batch, Wn1, bn1, Wn2, bn2, We1, be1, We2, be2, wq, Wu1, bu1, Wu2, bu2, Wh1, bh1, Wh2, bh2):
    center_mask, nbrn, nbre = build_star_subgraphs(edge_index, N_NODES, K_NBR)

    nf = input_process(mlp2(node_feat, Wn1, bn1, Wn2, bn2))
    ef = input_process(mlp2(edge_attr, We1, be1, We2, be2))

    e_feat = ef[nbre].reshape(N_NODES, K_NBR * PQC_DIM)
    all_centers = jnp.arange(N_NODES, dtype=nbrn.dtype)
    sub_nodes = jnp.concatenate([all_centers[:, None], nbrn], axis=1)
    n_feat = nf[sub_nodes].reshape(N_NODES, GRAPHLET * PQC_DIM)
    inputs = jnp.concatenate([e_feat, n_feat], axis=1)
    # quantum message-passing PQC surrogate: expval in [-1, 1]
    msg = jnp.tanh(inputs @ wq)
    upd_in = jnp.concatenate([nf, msg], axis=1)
    upd = mlp2(upd_in, Wu1, bu1, Wu2, bu2)
    nf = jnp.where(center_mask[:, None], upd, 0.0) + nf

    sums = jax.ops.segment_sum(nf, batch, num_segments=N_GRAPHS)
    counts = jax.ops.segment_sum(jnp.ones((nf.shape[0],), jnp.float32), batch, num_segments=N_GRAPHS)
    ge = sums / jnp.clip(counts, 1.0)[:, None]
    return mlp2(ge, Wh1, bh1, Wh2, bh2)

if __name__ == "__main__":
    import jax
    _d = setup_inputs()
    print(jax.jit(kernel)(*tuple(_d.values())))

</pallas_src>

<mosaic_0001>
#map = affine_map<(d0, d1) -> (0)>
module attributes {stable_mosaic.version = 14 : i64} {
  func.func @k(%arg0: i32, %arg1: i32, %arg2: memref<20480xf32, #tpu.memory_space<hbm>>, %arg3: memref<160000xf32, #tpu.memory_space<hbm>>, %arg4: memref<160000xf32, #tpu.memory_space<hbm>>, %arg5: memref<30720xi32, #tpu.memory_space<hbm>>, %arg6: memref<30720xi32, #tpu.memory_space<hbm>>, %arg7: memref<81920xf32, #tpu.memory_space<hbm>>, %arg8: memref<61440xf32, #tpu.memory_space<hbm>>, %arg9: memref<20480xf32, #tpu.memory_space<vmem>>, %arg10: memref<960xi32, #tpu.memory_space<vmem>>, %arg11: memref<960xi32, #tpu.memory_space<vmem>>, %arg12: memref<2560xf32, #tpu.memory_space<vmem>>, %arg13: memref<1920xf32, #tpu.memory_space<vmem>>, %arg14: memref<80xf32, #tpu.memory_space<vmem>>, %arg15: memref<80xf32, #tpu.memory_space<vmem>>, %arg16: memref<!tpu.dma_semaphore, #tpu.memory_space<semaphore_mem>>) attributes {dimension_semantics = [#tpu.dimension_semantics<core_parallel>, #tpu.dimension_semantics<subcore_parallel>], iteration_bounds = array<i64: 2, 16>, scalar_prefetch = 0 : i64, scratch_operands = 8 : i64, tpu.core_type = #tpu.core_type<sc_vector_subcore>, window_params = [{transform_indices = #map}, {transform_indices = #map}, {transform_indices = #map}, {transform_indices = #map}, {transform_indices = #map}, {transform_indices = #map}, {transform_indices = #map}]} {
    %mul3A = arith.constant 2 : i32
    %mul3A_0 = arith.muli %arg1, %mul3A : i32
    %add3A = arith.addi %mul3A_0, %arg0 : i32
    %mul3A_1 = arith.constant 320 : i32
    %mul3A_2 = arith.muli %add3A, %mul3A_1 : i32
    "tpu.region"() ({
      %run_scoped3A = tpu.sem_alloc : memref<!tpu.dma_semaphore, #tpu.memory_space<semaphore_mem>>
      tpu.enqueue_dma source(%arg2 : memref<20480xf32, #tpu.memory_space<hbm>>) target(%arg9 : memref<20480xf32, #tpu.memory_space<vmem>>) target_semaphore(%run_scoped3A : memref<!tpu.dma_semaphore, #tpu.memory_space<semaphore_mem>>)
      tpu.wait_dma2 semaphore(%run_scoped3A : memref<!tpu.dma_semaphore, #tpu.memory_space<semaphore_mem>>) src(%arg2 : memref<20480xf32, #tpu.memory_space<hbm>>) dst(%arg9 : memref<20480xf32, #tpu.memory_space<vmem>>)
      tpu.yield
    }) : () -> ()
    %mul3A_3 = arith.constant 3 : i32
    %mul3A_4 = arith.muli %mul3A_2, %mul3A_3 : i32
    "tpu.region"() ({
      %run_scoped3A = tpu.sem_alloc : memref<!tpu.dma_semaphore, #tpu.memory_space<semaphore_mem>>
      %dma_start3A = tpu.memref_slice %arg5[%mul3A_4] : memref<30720xi32, #tpu.memory_space<hbm>> -> memref<960xi32, #tpu.memory_space<hbm>>
      %dma_start3A_22 = tpu.memref_slice %arg5[%mul3A_4] : memref<30720xi32, #tpu.memory_space<hbm>> -> memref<960xi32, #tpu.memory_space<hbm>>
      tpu.enqueue_dma source(%dma_start3A_22 : memref<960xi32, #tpu.memory_space<hbm>>) target(%arg10 : memref<960xi32, #tpu.memory_space<vmem>>) target_semaphore(%run_scoped3A : memref<!tpu.dma_semaphore, #tpu.memory_space<semaphore_mem>>)
      %dma_wait3A = tpu.memref_slice %arg5[%mul3A_4] : memref<30720xi32, #tpu.memory_space<hbm>> -> memref<960xi32, #tpu.memory_space<hbm>>
      %dma_wait3A_23 = tpu.memref_slice %arg5[%mul3A_4] : memref<30720xi32, #tpu.memory_space<hbm>> -> memref<960xi32, #tpu.memory_space<hbm>>
      tpu.wait_dma2 semaphore(%run_scoped3A : memref<!tpu.dma_semaphore, #tpu.memory_space<semaphore_mem>>) src(%dma_wait3A_23 : memref<960xi32, #tpu.memory_space<hbm>>) dst(%arg10 : memref<960xi32, #tpu.memory_space<vmem>>)
      tpu.yield
    }) : () -> ()
    %mul3A_5 = arith.constant 3 : i32
    %mul3A_6 = arith.muli %mul3A_2, %mul3A_5 : i32
    "tpu.region"() ({
      %run_scoped3A = tpu.sem_alloc : memref<!tpu.dma_semaphore, #tpu.memory_space<semaphore_mem>>
      %dma_start3A = tpu.memref_slice %arg6[%mul3A_6] : memref<30720xi32, #tpu.memory_space<hbm>> -> memref<960xi32, #tpu.memory_space<hbm>>
      %dma_start3A_22 = tpu.memref_slice %arg6[%mul3A_6] : memref<30720xi32, #tpu.memory_space<hbm>> -> memref<960xi32, #tpu.memory_space<hbm>>
      tpu.enqueue_dma source(%dma_start3A_22 : memref<960xi32, #tpu.memory_space<hbm>>) target(%arg11 : memref<960xi32, #tpu.memory_space<vmem>>) target_semaphore(%run_scoped3A : memref<!tpu.dma_semaphore, #tpu.memory_space<semaphore_mem>>)
      %dma_wait3A = tpu.memref_slice %arg6[%mul3A_6] : memref<30720xi32, #tpu.memory_space<hbm>> -> memref<960xi32, #tpu.memory_space<hbm>>
      %dma_wait3A_23 = tpu.memref_slice %arg6[%mul3A_6] : memref<30720xi32, #tpu.memory_space<hbm>> -> memref<960xi32, #tpu.memory_space<hbm>>
      tpu.wait_dma2 semaphore(%run_scoped3A : memref<!tpu.dma_semaphore, #tpu.memory_space<semaphore_mem>>) src(%dma_wait3A_23 : memref<960xi32, #tpu.memory_space<hbm>>) dst(%arg11 : memref<960xi32, #tpu.memory_space<vmem>>)
      tpu.yield
    }) : () -> ()
    %iota3A = tpu.iota {dimensions = array<i32: 0>} : vector<16xi32>
    %scan3A = arith.constant 0 : i32
    %scan3A_7 = arith.constant 0 : i32
    %scan3A_8 = arith.constant 20 : i32
    %scan3A_9 = arith.addi %scan3A_7, %scan3A_8 : i32
    %scan3A_10 = arith.constant 1 : i32
    scf.for %scan3A_22 = %scan3A_7 to %scan3A_9 step %scan3A_10  : i32 {
      %mul3A_23 = arith.constant 16 : i32
      %mul3A_24 = arith.muli %scan3A_22, %mul3A_23 : i32
      %add3A_25 = vector.broadcast %mul3A_24 : i32 to vector<16xi32>
      %add3A_26 = arith.addi %add3A_25, %iota3A : vector<16xi32>
      %add3A_27 = vector.broadcast %mul3A_2 : i32 to vector<16xi32>
      %add3A_28 = arith.addi %add3A_27, %add3A_26 : vector<16xi32>
      %mul3A_29 = arith.constant 2 : i32
      %mul3A_30 = vector.broadcast %mul3A_29 : i32 to vector<16xi32>
      %mul3A_31 = arith.muli %add3A_28, %mul3A_30 : vector<16xi32>
      %add3A_32 = arith.constant 0 : i32
      %add3A_33 = vector.broadcast %add3A_32 : i32 to vector<16xi32>
      %add3A_34 = arith.addi %mul3A_31, %add3A_33 : vector<16xi32>
      %gather3A = tpu.vector_load_idx %arg9[%add3A_34] : memref<20480xf32, #tpu.memory_space<vmem>>[vector<16xi32>], vector<16xf32>,
      %mul3A_35 = arith.constant 8 : i32
      %mul3A_36 = vector.broadcast %mul3A_35 : i32 to vector<16xi32>
      %mul3A_37 = arith.muli %add3A_26, %mul3A_36 : vector<16xi32>
      %add3A_38 = arith.constant 0 : i32
      %add3A_39 = vector.broadcast %add3A_38 : i32 to vector<16xi32>
      %add3A_40 = arith.addi %mul3A_37, %add3A_39 : vector<16xi32>
      tpu.vector_store_idx %arg12[%add3A_40], %gather3A : memref<2560xf32, #tpu.memory_space<vmem>>[vector<16xi32>], vector<16xf32>,
      %add3A_41 = arith.constant 1 : i32
      %add3A_42 = vector.broadcast %add3A_41 : i32 to vector<16xi32>
      %add3A_43 = arith.addi %mul3A_31, %add3A_42 : vector<16xi32>
      %gather3A_44 = tpu.vector_load_idx %arg9[%add3A_43] : memref<20480xf32, #tpu.memory_space<vmem>>[vector<16xi32>], vector<16xf32>,
      %mul3A_45 = arith.constant 8 : i32
      %mul3A_46 = vector.broadcast %mul3A_45 : i32 to vector<16xi32>
      %mul3A_47 = arith.muli %add3A_26, %mul3A_46 : vector<16xi32>
      %add3A_48 = arith.constant 1 : i32
      %add3A_49 = vector.broadcast %add3A_48 : i32 to vector<16xi32>
      %add3A_50 = arith.addi %mul3A_47, %add3A_49 : vector<16xi32>
      tpu.vector_store_idx %arg12[%add3A_50], %gather3A_44 : memref<2560xf32, #tpu.memory_space<vmem>>[vector<16xi32>], vector<16xf32>,
      %mul3A_51 = arith.constant 3 : i32
      %mul3A_52 = vector.broadcast %mul3A_51 : i32 to vector<16xi32>
      %mul3A_53 = arith.muli %add3A_26, %mul3A_52 : vector<16xi32>
      %add3A_54 = arith.constant 0 : i32
      %add3A_55 = vector.broadcast %add3A_54 : i32 to vector<16xi32>
      %add3A_56 = arith.addi %mul3A_53, %add3A_55 : vector<16xi32>
      %gather3A_57 = tpu.vector_load_idx %arg10[%add3A_56] : memref<960xi32, #tpu.memory_space<vmem>>[vector<16xi32>], vector<16xi32>,
      %mul3A_58 = arith.constant 2 : i32
      %mul3A_59 = vector.broadcast %mul3A_58 : i32 to vector<16xi32>
      %mul3A_60 = arith.muli %gather3A_57, %mul3A_59 : vector<16xi32>
      %add3A_61 = arith.constant 0 : i32
      %add3A_62 = vector.broadcast %add3A_61 : i32 to vector<16xi32>
      %add3A_63 = arith.addi %mul3A_60, %add3A_62 : vector<16xi32>
      %gather3A_64 = tpu.vector_load_idx %arg9[%add3A_63] : memref<20480xf32, #tpu.memory_space<vmem>>[vector<16xi32>], vector<16xf32>,
      %mul3A_65 = arith.constant 8 : i32
      %mul3A_66 = vector.broadcast %mul3A_65 : i32 to vector<16xi32>
      %mul3A_67 = arith.muli %add3A_26, %mul3A_66 : vector<16xi32>
      %add3A_68 = arith.constant 2 : i32
      %add3A_69 = vector.broadcast %add3A_68 : i32 to vector<16xi32>
      %add3A_70 = arith.addi %mul3A_67, %add3A_69 : vector<16xi32>
      %add3A_71 = arith.constant 0 : i32
      %add3A_72 = vector.broadcast %add3A_71 : i32 to vector<16xi32>
      %add3A_73 = arith.addi %add3A_70, %add3A_72 : vector<16xi32>
      tpu.vector_store_idx %arg12[%add3A_73], %gather3A_64 : memref<2560xf32, #tpu.memory_space<vmem>>[vector<16xi32>], vector<16xf32>,
      %add3A_74 = arith.constant 1 : i32
      %add3A_75 = vector.broadcast %add3A_74 : i32 to vector<16xi32>
      %add3A_76 = arith.addi %mul3A_60, %add3A_75 : vector<16xi32>
      %gather3A_77 = tpu.vector_load_idx %arg9[%add3A_76] : memref<20480xf32, #tpu.memory_space<vmem>>[vector<16xi32>], vector<16xf32>,
      %mul3A_78 = arith.constant 8 : i32
      %mul3A_79 = vector.broadcast %mul3A_78 : i32 to vector<16xi32>
      %mul3A_80 = arith.muli %add3A_26, %mul3A_79 : vector<16xi32>
      %add3A_81 = arith.constant 2 : i32
      %add3A_82 = vector.broadcast %add3A_81 : i32 to vector<16xi32>
      %add3A_83 = arith.addi %mul3A_80, %add3A_82 : vector<16xi32>
      %add3A_84 = arith.constant 1 : i32
      %add3A_85 = vector.broadcast %add3A_84 : i32 to vector<16xi32>
      %add3A_86 = arith.addi %add3A_83, %add3A_85 : vector<16xi32>
      tpu.vector_store_idx %arg12[%add3A_86], %gather3A_77 : memref<2560xf32, #tpu.memory_space<vmem>>[vector<16xi32>], vector<16xf32>,
      %mul3A_87 = arith.constant 3 : i32
      %mul3A_88 = vector.broadcast %mul3A_87 : i32 to vector<16xi32>
      %mul3A_89 = arith.muli %add3A_26, %mul3A_88 : vector<16xi32>
      %add3A_90 = arith.constant 1 : i32
      %add3A_91 = vector.broadcast %add3A_90 : i32 to vector<16xi32>
      %add3A_92 = arith.addi %mul3A_89, %add3A_91 : vector<16xi32>
      %gather3A_93 = tpu.vector_load_idx %arg10[%add3A_92] : memref<960xi32, #tpu.memory_space<vmem>>[vector<16xi32>], vector<16xi32>,
      %mul3A_94 = arith.constant 2 : i32
      %mul3A_95 = vector.broadcast %mul3A_94 : i32 to vector<16xi32>
      %mul3A_96 = arith.muli %gather3A_93, %mul3A_95 : vector<16xi32>
      %add3A_97 = arith.constant 0 : i32
      %add3A_98 = vector.broadcast %add3A_97 : i32 to vector<16xi32>
      %add3A_99 = arith.addi %mul3A_96, %add3A_98 : vector<16xi32>
      %gather3A_100 = tpu.vector_load_idx %arg9[%add3A_99] : memref<20480xf32, #tpu.memory_space<vmem>>[vector<16xi32>], vector<16xf32>,
      %mul3A_101 = arith.constant 8 : i32
      %mul3A_102 = vector.broadcast %mul3A_101 : i32 to vector<16xi32>
      %mul3A_103 = arith.muli %add3A_26, %mul3A_102 : vector<16xi32>
      %add3A_104 = arith.constant 4 : i32
      %add3A_105 = vector.broadcast %add3A_104 : i32 to vector<16xi32>
      %add3A_106 = arith.addi %mul3A_103, %add3A_105 : vector<16xi32>
      %add3A_107 = arith.constant 0 : i32
      %add3A_108 = vector.broadcast %add3A_107 : i32 to vector<16xi32>
      %add3A_109 = arith.addi %add3A_106, %add3A_108 : vector<16xi32>
      tpu.vector_store_idx %arg12[%add3A_109], %gather3A_100 : memref<2560xf32, #tpu.memory_space<vmem>>[vector<16xi32>], vector<16xf32>,
      %add3A_110 = arith.constant 1 : i32
      %add3A_111 = vector.broadcast %add3A_110 : i32 to vector<16xi32>
      %add3A_112 = arith.addi %mul3A_96, %add3A_111 : vector<16xi32>
      %gather3A_113 = tpu.vector_load_idx %arg9[%add3A_112] : memref<20480xf32, #tpu.memory_space<vmem>>[vector<16xi32>], vector<16xf32>,
      %mul3A_114 = arith.constant 8 : i32
      %mul3A_115 = vector.broadcast %mul3A_114 : i32 to vector<16xi32>
      %mul3A_116 = arith.muli %add3A_26, %mul3A_115 : vector<16xi32>
      %add3A_117 = arith.constant 4 : i32
      %add3A_118 = vector.broadcast %add3A_117 : i32 to vector<16xi32>
      %add3A_119 = arith.addi %mul3A_116, %add3A_118 : vector<16xi32>
      %add3A_120 = arith.constant 1 : i32
      %add3A_121 = vector.broadcast %add3A_120 : i32 to vector<16xi32>
      %add3A_122 = arith.addi %add3A_119, %add3A_121 : vector<16xi32>
      tpu.vector_store_idx %arg12[%add3A_122], %gather3A_113 : memref<2560xf32, #tpu.memory_space<vmem>>[vector<16xi32>], vector<16xf32>,
      %mul3A_123 = arith.constant 3 : i32
      %mul3A_124 = vector.broadcast %mul3A_123 : i32 to vector<16xi32>
      %mul3A_125 = arith.muli %add3A_26, %mul3A_124 : vector<16xi32>
      %add3A_126 = arith.constant 2 : i32
      %add3A_127 = vector.broadcast %add3A_126 : i32 to vector<16xi32>
      %add3A_128 = arith.addi %mul3A_125, %add3A_127 : vector<16xi32>
      %gather3A_129 = tpu.vector_load_idx %arg10[%add3A_128] : memref<960xi32, #tpu.memory_space<vmem>>[vector<16xi32>], vector<16xi32>,
      %mul3A_130 = arith.constant 2 : i32
      %mul3A_131 = vector.broadcast %mul3A_130 : i32 to vector<16xi32>
      %mul3A_132 = arith.muli %gather3A_129, %mul3A_131 : vector<16xi32>
      %add3A_133 = arith.constant 0 : i32
      %add3A_134 = vector.broadcast %add3A_133 : i32 to vector<16xi32>
      %add3A_135 = arith.addi %mul3A_132, %add3A_134 : vector<16xi32>
      %gather3A_136 = tpu.vector_load_idx %arg9[%add3A_135] : memref<20480xf32, #tpu.memory_space<vmem>>[vector<16xi32>], vector<16xf32>,
      %mul3A_137 = arith.constant 8 : i32
      %mul3A_138 = vector.broadcast %mul3A_137 : i32 to vector<16xi32>
      %mul3A_139 = arith.muli %add3A_26, %mul3A_138 : vector<16xi32>
      %add3A_140 = arith.constant 6 : i32
      %add3A_141 = vector.broadcast %add3A_140 : i32 to vector<16xi32>
      %add3A_142 = arith.addi %mul3A_139, %add3A_141 : vector<16xi32>
      %add3A_143 = arith.constant 0 : i32
      %add3A_144 = vector.broadcast %add3A_143 : i32 to vector<16xi32>
      %add3A_145 = arith.addi %add3A_142, %add3A_144 : vector<16xi32>
      tpu.vector_store_idx %arg12[%add3A_145], %gather3A_136 : memref<2560xf32, #tpu.memory_space<vmem>>[vector<16xi32>], vector<16xf32>,
      %add3A_146 = arith.constant 1 : i32
      %add3A_147 = vector.broadcast %add3A_146 : i32 to vector<16xi32>
      %add3A_148 = arith.addi %mul3A_132, %add3A_147 : vector<16xi32>
      %gather3A_149 = tpu.vector_load_idx %arg9[%add3A_148] : memref<20480xf32, #tpu.memory_space<vmem>>[vector<16xi32>], vector<16xf32>,
      %mul3A_150 = arith.constant 8 : i32
      %mul3A_151 = vector.broadcast %mul3A_150 : i32 to vector<16xi32>
      %mul3A_152 = arith.muli %add3A_26, %mul3A_151 : vector<16xi32>
      %add3A_153 = arith.constant 6 : i32
      %add3A_154 = vector.broadcast %add3A_153 : i32 to vector<16xi32>
      %add3A_155 = arith.addi %mul3A_152, %add3A_154 : vector<16xi32>
      %add3A_156 = arith.constant 1 : i32
      %add3A_157 = vector.broadcast %add3A_156 : i32 to vector<16xi32>
      %add3A_158 = arith.addi %add3A_155, %add3A_157 : vector<16xi32>
      tpu.vector_store_idx %arg12[%add3A_158], %gather3A_149 : memref<2560xf32, #tpu.memory_space<vmem>>[vector<16xi32>], vector<16xf32>,
    }
    %scan3A_11 = arith.constant 20 : i32
    %scan3A_12 = arith.constant 0 : i32
    %scan3A_13 = arith.constant 0 : i32
    %scan3A_14 = arith.constant 12 : i32
    %scan3A_15 = arith.addi %scan3A_13, %scan3A_14 : i32
    %scan3A_16 = arith.constant 1 : i32
    scf.for %scan3A_22 = %scan3A_13 to %scan3A_15 step %scan3A_16  : i32 {
      %mul3A_23 = arith.constant 80 : i32
      %mul3A_24 = arith.muli %scan3A_22, %mul3A_23 : i32
      %dma_start3A = tpu.memref_slice %arg11[%mul3A_24] : memref<960xi32, #tpu.memory_space<vmem>> -> memref<80xi32, #tpu.memory_space<vmem>>
      %dma_start3A_25 = arith.constant 0 : i32
      %dma_start3A_26 = tpu.memref_slice %arg3[%dma_start3A_25] : memref<160000xf32, #tpu.memory_space<hbm>> -> memref<160000xf32, #tpu.memory_space<hbm>>
      tpu.enqueue_indirect_dma source(%dma_start3A_26 : memref<160000xf32, #tpu.memory_space<hbm>>) target(%arg14 : memref<80xf32, #tpu.memory_space<vmem>>) offsets(%dma_start3A : memref<80xi32, #tpu.memory_space<vmem>>) semaphore(%arg16 : memref<!tpu.dma_semaphore, #tpu.memory_space<semaphore_mem>>)
      %dma_start3A_27 = tpu.memref_slice %arg11[%mul3A_24] : memref<960xi32, #tpu.memory_space<vmem>> -> memref<80xi32, #tpu.memory_space<vmem>>
      %dma_start3A_28 = arith.constant 0 : i32
      %dma_start3A_29 = tpu.memref_slice %arg4[%dma_start3A_28] : memref<160000xf32, #tpu.memory_space<hbm>> -> memref<160000xf32, #tpu.memory_space<hbm>>
      tpu.enqueue_indirect_dma source(%dma_start3A_29 : memref<160000xf32, #tpu.memory_space<hbm>>) target(%arg15 : memref<80xf32, #tpu.memory_space<vmem>>) offsets(%dma_start3A_27 : memref<80xi32, #tpu.memory_space<vmem>>) semaphore(%arg16 : memref<!tpu.dma_semaphore, #tpu.memory_space<semaphore_mem>>)
      %dma_wait3A = tpu.memref_slice %arg11[%mul3A_24] : memref<960xi32, #tpu.memory_space<vmem>> -> memref<80xi32, #tpu.memory_space<vmem>>
      %dma_wait3A_30 = arith.constant 0 : i32
      %dma_wait3A_31 = tpu.memref_slice %arg3[%dma_wait3A_30] : memref<160000xf32, #tpu.memory_space<hbm>> -> memref<160000xf32, #tpu.memory_space<hbm>>
      tpu.wait_indirect_dma semaphore(%arg16 : memref<!tpu.dma_semaphore, #tpu.memory_space<semaphore_mem>>) src(%dma_wait3A_31 : memref<160000xf32, #tpu.memory_space<hbm>>) dst(%arg14 : memref<80xf32, #tpu.memory_space<vmem>>)
      %dma_wait3A_32 = tpu.memref_slice %arg11[%mul3A_24] : memref<960xi32, #tpu.memory_space<vmem>> -> memref<80xi32, #tpu.memory_space<vmem>>
      %dma_wait3A_33 = arith.constant 0 : i32
      %dma_wait3A_34 = tpu.memref_slice %arg4[%dma_wait3A_33] : memref<160000xf32, #tpu.memory_space<hbm>> -> memref<160000xf32, #tpu.memory_space<hbm>>
      tpu.wait_indirect_dma semaphore(%arg16 : memref<!tpu.dma_semaphore, #tpu.memory_space<semaphore_mem>>) src(%dma_wait3A_34 : memref<160000xf32, #tpu.memory_space<hbm>>) dst(%arg15 : memref<80xf32, #tpu.memory_space<vmem>>)
      %mul3A_35 = arith.constant 80 : i32
      %mul3A_36 = arith.muli %scan3A_22, %mul3A_35 : i32
      %add3A_37 = arith.constant 0 : i32
      %add3A_38 = arith.addi %mul3A_36, %add3A_37 : i32
      %add3A_39 = vector.broadcast %add3A_38 : i32 to vector<16xi32>
      %add3A_40 = arith.addi %add3A_39, %iota3A : vector<16xi32>
      %jit3A = arith.constant 3 : i32
      %div3A = vector.broadcast %jit3A : i32 to vector<16xi32>
      %div3A_41 = arith.divsi %add3A_40, %div3A : vector<16xi32>
      %sign3A = arith.constant 0 : i32
      %sign3A_42 = vector.broadcast %sign3A : i32 to vector<16xi32>
      %sign3A_43 = arith.cmpi sgt, %add3A_40, %sign3A_42 : vector<16xi32>
      %sign3A_44 = arith.extui %sign3A_43 : vector<16xi1> to vector<16xi32>
      %sign3A_45 = arith.constant 0 : i32
      %sign3A_46 = vector.broadcast %sign3A_45 : i32 to vector<16xi32>
      %sign3A_47 = arith.cmpi slt, %add3A_40, %sign3A_46 : vector<16xi32>
      %sign3A_48 = arith.extui %sign3A_47 : vector<16xi1> to vector<16xi32>
      %sign3A_49 = arith.subi %sign3A_44, %sign3A_48 : vector<16xi32>
      %sign3A_50 = arith.constant 0 : i32
      %sign3A_51 = arith.cmpi sgt, %jit3A, %sign3A_50 : i32
      %sign3A_52 = arith.extui %sign3A_51 : i1 to i32
      %sign3A_53 = arith.constant 0 : i32
      %sign3A_54 = arith.cmpi slt, %jit3A, %sign3A_53 : i32
      %sign3A_55 = arith.extui %sign3A_54 : i1 to i32
      %sign3A_56 = arith.subi %sign3A_52, %sign3A_55 : i32
      %ne3A = vector.broadcast %sign3A_56 : i32 to vector<16xi32>
      %ne3A_57 = arith.cmpi ne, %sign3A_49, %ne3A : vector<16xi32>
      %rem3A = vector.broadcast %jit3A : i32 to vector<16xi32>
      %rem3A_58 = arith.remsi %add3A_40, %rem3A : vector<16xi32>
      %ne3A_59 = arith.constant 0 : i32
      %ne3A_60 = vector.broadcast %ne3A_59 : i32 to vector<16xi32>
      %ne3A_61 = arith.cmpi ne, %rem3A_58, %ne3A_60 : vector<16xi32>
      %and3A = arith.andi %ne3A_57, %ne3A_61 : vector<16xi1>
      %sub3A = arith.constant 1 : i32
      %sub3A_62 = vector.broadcast %sub3A : i32 to vector<16xi32>
      %sub3A_63 = arith.subi %div3A_41, %sub3A_62 : vector<16xi32>
      %select_n3A = arith.select %and3A, %sub3A_63, %div3A_41 : vector<16xi1>, vector<16xi32>
      %mul3A_64 = arith.constant 3 : i32
      %mul3A_65 = vector.broadcast %mul3A_64 : i32 to vector<16xi32>
      %mul3A_66 = arith.muli %select_n3A, %mul3A_65 : vector<16xi32>
      %sub3A_67 = arith.subi %add3A_40, %mul3A_66 : vector<16xi32>
      %get3A = arith.constant 0 : index
      %get3A_68 = tpu.vector_load %arg14[%get3A] {strides = array<i32>} : memref<80xf32, #tpu.memory_space<vmem>>, vector<16xf32>,
      %get3A_69 = arith.constant 0 : index
      %get3A_70 = tpu.vector_load %arg15[%get3A_69] {strides = array<i32>} : memref<80xf32, #tpu.memory_space<vmem>>, vector<16xf32>,
      %mul3A_71 = arith.constant 6 : i32
      %mul3A_72 = vector.broadcast %mul3A_71 : i32 to vector<16xi32>
      %mul3A_73 = arith.muli %select_n3A, %mul3A_72 : vector<16xi32>
      %mul3A_74 = arith.constant 2 : i32
      %mul3A_75 = vector.broadcast %mul3A_74 : i32 to vector<16xi32>
      %mul3A_76 = arith.muli %sub3A_67, %mul3A_75 : vector<16xi32>
      %add3A_77 = arith.addi %mul3A_73, %mul3A_76 : vector<16xi32>
      tpu.vector_store_idx %arg13[%add3A_77], %get3A_68 : memref<1920xf32, #tpu.memory_space<vmem>>[vector<16xi32>], vector<16xf32>,
      %add3A_78 = arith.constant 1 : i32
      %add3A_79 = vector.broadcast %add3A_78 : i32 to vector<16xi32>
      %add3A_80 = arith.addi %add3A_77, %add3A_79 : vector<16xi32>
      tpu.vector_store_idx %arg13[%add3A_80], %get3A_70 : memref<1920xf32, #tpu.memory_space<vmem>>[vector<16xi32>], vector<16xf32>,
      %mul3A_81 = arith.constant 80 : i32
      %mul3A_82 = arith.muli %scan3A_22, %mul3A_81 : i32
      %add3A_83 = arith.constant 16 : i32
      %add3A_84 = arith.addi %mul3A_82, %add3A_83 : i32
      %add3A_85 = vector.broadcast %add3A_84 : i32 to vector<16xi32>
      %add3A_86 = arith.addi %add3A_85, %iota3A : vector<16xi32>
      %jit3A_87 = arith.constant 3 : i32
      %div3A_88 = vector.broadcast %jit3A_87 : i32 to vector<16xi32>
      %div3A_89 = arith.divsi %add3A_86, %div3A_88 : vector<16xi32>
      %sign3A_90 = arith.constant 0 : i32
      %sign3A_91 = vector.broadcast %sign3A_90 : i32 to vector<16xi32>
      %sign3A_92 = arith.cmpi sgt, %add3A_86, %sign3A_91 : vector<16xi32>
      %sign3A_93 = arith.extui %sign3A_92 : vector<16xi1> to vector<16xi32>
      %sign3A_94 = arith.constant 0 : i32
      %sign3A_95 = vector.broadcast %sign3A_94 : i32 to vector<16xi32>
      %sign3A_96 = arith.cmpi slt, %add3A_86, %sign3A_95 : vector<16xi32>
      %sign3A_97 = arith.extui %sign3A_96 : vector<16xi1> to vector<16xi32>
      %sign3A_98 = arith.subi %sign3A_93, %sign3A_97 : vector<16xi32>
      %sign3A_99 = arith.constant 0 : i32
      %sign3A_100 = arith.cmpi sgt, %jit3A_87, %sign3A_99 : i32
      %sign3A_101 = arith.extui %sign3A_100 : i1 to i32
      %sign3A_102 = arith.constant 0 : i32
      %sign3A_103 = arith.cmpi slt, %jit3A_87, %sign3A_102 : i32
      %sign3A_104 = arith.extui %sign3A_103 : i1 to i32
      %sign3A_105 = arith.subi %sign3A_101, %sign3A_104 : i32
      %ne3A_106 = vector.broadcast %sign3A_105 : i32 to vector<16xi32>
      %ne3A_107 = arith.cmpi ne, %sign3A_98, %ne3A_106 : vector<16xi32>
      %rem3A_108 = vector.broadcast %jit3A_87 : i32 to vector<16xi32>
      %rem3A_109 = arith.remsi %add3A_86, %rem3A_108 : vector<16xi32>
      %ne3A_110 = arith.constant 0 : i32
      %ne3A_111 = vector.broadcast %ne3A_110 : i32 to vector<16xi32>
      %ne3A_112 = arith.cmpi ne, %rem3A_109, %ne3A_111 : vector<16xi32>
      %and3A_113 = arith.andi %ne3A_107, %ne3A_112 : vector<16xi1>
      %sub3A_114 = arith.constant 1 : i32
      %sub3A_115 = vector.broadcast %sub3A_114 : i32 to vector<16xi32>
      %sub3A_116 = arith.subi %div3A_89, %sub3A_115 : vector<16xi32>
      %select_n3A_117 = arith.select %and3A_113, %sub3A_116, %div3A_89 : vector<16xi1>, vector<16xi32>
      %mul3A_118 = arith.constant 3 : i32
      %mul3A_119 = vector.broadcast %mul3A_118 : i32 to vector<16xi32>
      %mul3A_120 = arith.muli %select_n3A_117, %mul3A_119 : vector<16xi32>
      %sub3A_121 = arith.subi %add3A_86, %mul3A_120 : vector<16xi32>
      %get3A_122 = arith.constant 16 : index
      %get3A_123 = tpu.vector_load %arg14[%get3A_122] {strides = array<i32>} : memref<80xf32, #tpu.memory_space<vmem>>, vector<16xf32>,
      %get3A_124 = arith.constant 16 : index
      %get3A_125 = tpu.vector_load %arg15[%get3A_124] {strides = array<i32>} : memref<80xf32, #tpu.memory_space<vmem>>, vector<16xf32>,
      %mul3A_126 = arith.constant 6 : i32
      %mul3A_127 = vector.broadcast %mul3A_126 : i32 to vector<16xi32>
      %mul3A_128 = arith.muli %select_n3A_117, %mul3A_127 : vector<16xi32>
      %mul3A_129 = arith.constant 2 : i32
      %mul3A_130 = vector.broadcast %mul3A_129 : i32 to vector<16xi32>
      %mul3A_131 = arith.muli %sub3A_121, %mul3A_130 : vector<16xi32>
      %add3A_132 = arith.addi %mul3A_128, %mul3A_131 : vector<16xi32>
      tpu.vector_store_idx %arg13[%add3A_132], %get3A_123 : memref<1920xf32, #tpu.memory_space<vmem>>[vector<16xi32>], vector<16xf32>,
      %add3A_133 = arith.constant 1 : i32
      %add3A_134 = vector.broadcast %add3A_133 : i32 to vector<16xi32>
      %add3A_135 = arith.addi %add3A_132, %add3A_134 : vector<16xi32>
      tpu.vector_store_idx %arg13[%add3A_135], %get3A_125 : memref<1920xf32, #tpu.memory_space<vmem>>[vector<16xi32>], vector<16xf32>,
      %mul3A_136 = arith.constant 80 : i32
      %mul3A_137 = arith.muli %scan3A_22, %mul3A_136 : i32
      %add3A_138 = arith.constant 32 : i32
      %add3A_139 = arith.addi %mul3A_137, %add3A_138 : i32
      %add3A_140 = vector.broadcast %add3A_139 : i32 to vector<16xi32>
      %add3A_141 = arith.addi %add3A_140, %iota3A : vector<16xi32>
      %jit3A_142 = arith.constant 3 : i32
      %div3A_143 = vector.broadcast %jit3A_142 : i32 to vector<16xi32>
      %div3A_144 = arith.divsi %add3A_141, %div3A_143 : vector<16xi32>
      %sign3A_145 = arith.constant 0 : i32
      %sign3A_146 = vector.broadcast %sign3A_145 : i32 to vector<16xi32>
      %sign3A_147 = arith.cmpi sgt, %add3A_141, %sign3A_146 : vector<16xi32>
      %sign3A_148 = arith.extui %sign3A_147 : vector<16xi1> to vector<16xi32>
      %sign3A_149 = arith.constant 0 : i32
      %sign3A_150 = vector.broadcast %sign3A_149 : i32 to vector<16xi32>
      %sign3A_151 = arith.cmpi slt, %add3A_141, %sign3A_150 : vector<16xi32>
      %sign3A_152 = arith.extui %sign3A_151 : vector<16xi1> to vector<16xi32>
      %sign3A_153 = arith.subi %sign3A_148, %sign3A_152 : vector<16xi32>
      %sign3A_154 = arith.constant 0 : i32
      %sign3A_155 = arith.cmpi sgt, %jit3A_142, %sign3A_154 : i32
      %sign3A_156 = arith.extui %sign3A_155 : i1 to i32
      %sign3A_157 = arith.constant 0 : i32
      %sign3A_158 = arith.cmpi slt, %jit3A_142, %sign3A_157 : i32
      %sign3A_159 = arith.extui %sign3A_158 : i1 to i32
      %sign3A_160 = arith.subi %sign3A_156, %sign3A_159 : i32
      %ne3A_161 = vector.broadcast %sign3A_160 : i32 to vector<16xi32>
      %ne3A_162 = arith.cmpi ne, %sign3A_153, %ne3A_161 : vector<16xi32>
      %rem3A_163 = vector.broadcast %jit3A_142 : i32 to vector<16xi32>
      %rem3A_164 = arith.remsi %add3A_141, %rem3A_163 : vector<16xi32>
      %ne3A_165 = arith.constant 0 : i32
      %ne3A_166 = vector.broadcast %ne3A_165 : i32 to vector<16xi32>
      %ne3A_167 = arith.cmpi ne, %rem3A_164, %ne3A_166 : vector<16xi32>
      %and3A_168 = arith.andi %ne3A_162, %ne3A_167 : vector<16xi1>
      %sub3A_169 = arith.constant 1 : i32
      %sub3A_170 = vector.broadcast %sub3A_169 : i32 to vector<16xi32>
      %sub3A_171 = arith.subi %div3A_144, %sub3A_170 : vector<16xi32>
      %select_n3A_172 = arith.select %and3A_168, %sub3A_171, %div3A_144 : vector<16xi1>, vector<16xi32>
      %mul3A_173 = arith.constant 3 : i32
      %mul3A_174 = vector.broadcast %mul3A_173 : i32 to vector<16xi32>
      %mul3A_175 = arith.muli %select_n3A_172, %mul3A_174 : vector<16xi32>
      %sub3A_176 = arith.subi %add3A_141, %mul3A_175 : vector<16xi32>
      %get3A_177 = arith.constant 32 : index
      %get3A_178 = tpu.vector_load %arg14[%get3A_177] {strides = array<i32>} : memref<80xf32, #tpu.memory_space<vmem>>, vector<16xf32>,
      %get3A_179 = arith.constant 32 : index
      %get3A_180 = tpu.vector_load %arg15[%get3A_179] {strides = array<i32>} : memref<80xf32, #tpu.memory_space<vmem>>, vector<16xf32>,
      %mul3A_181 = arith.constant 6 : i32
      %mul3A_182 = vector.broadcast %mul3A_181 : i32 to vector<16xi32>
      %mul3A_183 = arith.muli %select_n3A_172, %mul3A_182 : vector<16xi32>
      %mul3A_184 = arith.constant 2 : i32
      %mul3A_185 = vector.broadcast %mul3A_184 : i32 to vector<16xi32>
      %mul3A_186 = arith.muli %sub3A_176, %mul3A_185 : vector<16xi32>
      %add3A_187 = arith.addi %mul3A_183, %mul3A_186 : vector<16xi32>
      tpu.vector_store_idx %arg13[%add3A_187], %get3A_178 : memref<1920xf32, #tpu.memory_space<vmem>>[vector<16xi32>], vector<16xf32>,
      %add3A_188 = arith.constant 1 : i32
      %add3A_189 = vector.broadcast %add3A_188 : i32 to vector<16xi32>
      %add3A_190 = arith.addi %add3A_187, %add3A_189 : vector<16xi32>
      tpu.vector_store_idx %arg13[%add3A_190], %get3A_180 : memref<1920xf32, #tpu.memory_space<vmem>>[vector<16xi32>], vector<16xf32>,
      %mul3A_191 = arith.constant 80 : i32
      %mul3A_192 = arith.muli %scan3A_22, %mul3A_191 : i32
      %add3A_193 = arith.constant 48 : i32
      %add3A_194 = arith.addi %mul3A_192, %add3A_193 : i32
      %add3A_195 = vector.broadcast %add3A_194 : i32 to vector<16xi32>
      %add3A_196 = arith.addi %add3A_195, %iota3A : vector<16xi32>
      %jit3A_197 = arith.constant 3 : i32
      %div3A_198 = vector.broadcast %jit3A_197 : i32 to vector<16xi32>
      %div3A_199 = arith.divsi %add3A_196, %div3A_198 : vector<16xi32>
      %sign3A_200 = arith.constant 0 : i32
      %sign3A_201 = vector.broadcast %sign3A_200 : i32 to vector<16xi32>
      %sign3A_202 = arith.cmpi sgt, %add3A_196, %sign3A_201 : vector<16xi32>
      %sign3A_203 = arith.extui %sign3A_202 : vector<16xi1> to vector<16xi32>
      %sign3A_204 = arith.constant 0 : i32
      %sign3A_205 = vector.broadcast %sign3A_204 : i32 to vector<16xi32>
      %sign3A_206 = arith.cmpi slt, %add3A_196, %sign3A_205 : vector<16xi32>
      %sign3A_207 = arith.extui %sign3A_206 : vector<16xi1> to vector<16xi32>
      %sign3A_208 = arith.subi %sign3A_203, %sign3A_207 : vector<16xi32>
      %sign3A_209 = arith.constant 0 : i32
      %sign3A_210 = arith.cmpi sgt, %jit3A_197, %sign3A_209 : i32
      %sign3A_211 = arith.extui %sign3A_210 : i1 to i32
      %sign3A_212 = arith.constant 0 : i32
      %sign3A_213 = arith.cmpi slt, %jit3A_197, %sign3A_212 : i32
      %sign3A_214 = arith.extui %sign3A_213 : i1 to i32
      %sign3A_215 = arith.subi %sign3A_211, %sign3A_214 : i32
      %ne3A_216 = vector.broadcast %sign3A_215 : i32 to vector<16xi32>
      %ne3A_217 = arith.cmpi ne, %sign3A_208, %ne3A_216 : vector<16xi32>
      %rem3A_218 = vector.broadcast %jit3A_197 : i32 to vector<16xi32>
      %rem3A_219 = arith.remsi %add3A_196, %rem3A_218 : vector<16xi32>
      %ne3A_220 = arith.constant 0 : i32
      %ne3A_221 = vector.broadcast %ne3A_220 : i32 to vector<16xi32>
      %ne3A_222 = arith.cmpi ne, %rem3A_219, %ne3A_221 : vector<16xi32>
      %and3A_223 = arith.andi %ne3A_217, %ne3A_222 : vector<16xi1>
      %sub3A_224 = arith.constant 1 : i32
      %sub3A_225 = vector.broadcast %sub3A_224 : i32 to vector<16xi32>
      %sub3A_226 = arith.subi %div3A_199, %sub3A_225 : vector<16xi32>
      %select_n3A_227 = arith.select %and3A_223, %sub3A_226, %div3A_199 : vector<16xi1>, vector<16xi32>
      %mul3A_228 = arith.constant 3 : i32
      %mul3A_229 = vector.broadcast %mul3A_228 : i32 to vector<16xi32>
      %mul3A_230 = arith.muli %select_n3A_227, %mul3A_229 : vector<16xi32>
      %sub3A_231 = arith.subi %add3A_196, %mul3A_230 : vector<16xi32>
      %get3A_232 = arith.constant 48 : index
      %get3A_233 = tpu.vector_load %arg14[%get3A_232] {strides = array<i32>} : memref<80xf32, #tpu.memory_space<vmem>>, vector<16xf32>,
      %get3A_234 = arith.constant 48 : index
      %get3A_235 = tpu.vector_load %arg15[%get3A_234] {strides = array<i32>} : memref<80xf32, #tpu.memory_space<vmem>>, vector<16xf32>,
      %mul3A_236 = arith.constant 6 : i32
      %mul3A_237 = vector.broadcast %mul3A_236 : i32 to vector<16xi32>
      %mul3A_238 = arith.muli %select_n3A_227, %mul3A_237 : vector<16xi32>
      %mul3A_239 = arith.constant 2 : i32
      %mul3A_240 = vector.broadcast %mul3A_239 : i32 to vector<16xi32>
      %mul3A_241 = arith.muli %sub3A_231, %mul3A_240 : vector<16xi32>
      %add3A_242 = arith.addi %mul3A_238, %mul3A_241 : vector<16xi32>
      tpu.vector_store_idx %arg13[%add3A_242], %get3A_233 : memref<1920xf32, #tpu.memory_space<vmem>>[vector<16xi32>], vector<16xf32>,
      %add3A_243 = arith.constant 1 : i32
      %add3A_244 = vector.broadcast %add3A_243 : i32 to vector<16xi32>
      %add3A_245 = arith.addi %add3A_242, %add3A_244 : vector<16xi32>
      tpu.vector_store_idx %arg13[%add3A_245], %get3A_235 : memref<1920xf32, #tpu.memory_space<vmem>>[vector<16xi32>], vector<16xf32>,
      %mul3A_246 = arith.constant 80 : i32
      %mul3A_247 = arith.muli %scan3A_22, %mul3A_246 : i32
      %add3A_248 = arith.constant 64 : i32
      %add3A_249 = arith.addi %mul3A_247, %add3A_248 : i32
      %add3A_250 = vector.broadcast %add3A_249 : i32 to vector<16xi32>
      %add3A_251 = arith.addi %add3A_250, %iota3A : vector<16xi32>
      %jit3A_252 = arith.constant 3 : i32
      %div3A_253 = vector.broadcast %jit3A_252 : i32 to vector<16xi32>
      %div3A_254 = arith.divsi %add3A_251, %div3A_253 : vector<16xi32>
      %sign3A_255 = arith.constant 0 : i32
      %sign3A_256 = vector.broadcast %sign3A_255 : i32 to vector<16xi32>
      %sign3A_257 = arith.cmpi sgt, %add3A_251, %sign3A_256 : vector<16xi32>
      %sign3A_258 = arith.extui %sign3A_257 : vector<16xi1> to vector<16xi32>
      %sign3A_259 = arith.constant 0 : i32
      %sign3A_260 = vector.broadcast %sign3A_259 : i32 to vector<16xi32>
      %sign3A_261 = arith.cmpi slt, %add3A_251, %sign3A_260 : vector<16xi32>
      %sign3A_262 = arith.extui %sign3A_261 : vector<16xi1> to vector<16xi32>
      %sign3A_263 = arith.subi %sign3A_258, %sign3A_262 : vector<16xi32>
      %sign3A_264 = arith.constant 0 : i32
      %sign3A_265 = arith.cmpi sgt, %jit3A_252, %sign3A_264 : i32
      %sign3A_266 = arith.extui %sign3A_265 : i1 to i32
      %sign3A_267 = arith.constant 0 : i32
      %sign3A_268 = arith.cmpi slt, %jit3A_252, %sign3A_267 : i32
      %sign3A_269 = arith.extui %sign3A_268 : i1 to i32
      %sign3A_270 = arith.subi %sign3A_266, %sign3A_269 : i32
      %ne3A_271 = vector.broadcast %sign3A_270 : i32 to vector<16xi32>
      %ne3A_272 = arith.cmpi ne, %sign3A_263, %ne3A_271 : vector<16xi32>
      %rem3A_273 = vector.broadcast %jit3A_252 : i32 to vector<16xi32>
      %rem3A_274 = arith.remsi %add3A_251, %rem3A_273 : vector<16xi32>
      %ne3A_275 = arith.constant 0 : i32
      %ne3A_276 = vector.broadcast %ne3A_275 : i32 to vector<16xi32>
      %ne3A_277 = arith.cmpi ne, %rem3A_274, %ne3A_276 : vector<16xi32>
      %and3A_278 = arith.andi %ne3A_272, %ne3A_277 : vector<16xi1>
      %sub3A_279 = arith.constant 1 : i32
      %sub3A_280 = vector.broadcast %sub3A_279 : i32 to vector<16xi32>
      %sub3A_281 = arith.subi %div3A_254, %sub3A_280 : vector<16xi32>
      %select_n3A_282 = arith.select %and3A_278, %sub3A_281, %div3A_254 : vector<16xi1>, vector<16xi32>
      %mul3A_283 = arith.constant 3 : i32
      %mul3A_284 = vector.broadcast %mul3A_283 : i32 to vector<16xi32>
      %mul3A_285 = arith.muli %select_n3A_282, %mul3A_284 : vector<16xi32>
      %sub3A_286 = arith.subi %add3A_251, %mul3A_285 : vector<16xi32>
      %get3A_287 = arith.constant 64 : index
      %get3A_288 = tpu.vector_load %arg14[%get3A_287] {strides = array<i32>} : memref<80xf32, #tpu.memory_space<vmem>>, vector<16xf32>,
      %get3A_289 = arith.constant 64 : index
      %get3A_290 = tpu.vector_load %arg15[%get3A_289] {strides = array<i32>} : memref<80xf32, #tpu.memory_space<vmem>>, vector<16xf32>,
      %mul3A_291 = arith.constant 6 : i32
      %mul3A_292 = vector.broadcast %mul3A_291 : i32 to vector<16xi32>
      %mul3A_293 = arith.muli %select_n3A_282, %mul3A_292 : vector<16xi32>
      %mul3A_294 = arith.constant 2 : i32
      %mul3A_295 = vector.broadcast %mul3A_294 : i32 to vector<16xi32>
      %mul3A_296 = arith.muli %sub3A_286, %mul3A_295 : vector<16xi32>
      %add3A_297 = arith.addi %mul3A_293, %mul3A_296 : vector<16xi32>
      tpu.vector_store_idx %arg13[%add3A_297], %get3A_288 : memref<1920xf32, #tpu.memory_space<vmem>>[vector<16xi32>], vector<16xf32>,
      %add3A_298 = arith.constant 1 : i32
      %add3A_299 = vector.broadcast %add3A_298 : i32 to vector<16xi32>
      %add3A_300 = arith.addi %add3A_297, %add3A_299 : vector<16xi32>
      tpu.vector_store_idx %arg13[%add3A_300], %get3A_290 : memref<1920xf32, #tpu.memory_space<vmem>>[vector<16xi32>], vector<16xf32>,
    }
    %scan3A_17 = arith.constant 12 : i32
    %mul3A_18 = arith.constant 8 : i32
    %mul3A_19 = arith.muli %mul3A_2, %mul3A_18 : i32
    "tpu.region"() ({
      %run_scoped3A = tpu.sem_alloc : memref<!tpu.dma_semaphore, #tpu.memory_space<semaphore_mem>>
      %dma_start3A = tpu.memref_slice %arg7[%mul3A_19] : memref<81920xf32, #tpu.memory_space<hbm>> -> memref<2560xf32, #tpu.memory_space<hbm>>
      %dma_start3A_22 = tpu.memref_slice %arg7[%mul3A_19] : memref<81920xf32, #tpu.memory_space<hbm>> -> memref<2560xf32, #tpu.memory_space<hbm>>
      tpu.enqueue_dma source(%arg12 : memref<2560xf32, #tpu.memory_space<vmem>>) target(%dma_start3A_22 : memref<2560xf32, #tpu.memory_space<hbm>>) target_semaphore(%run_scoped3A : memref<!tpu.dma_semaphore, #tpu.memory_space<semaphore_mem>>)
      %dma_wait3A = tpu.memref_slice %arg7[%mul3A_19] : memref<81920xf32, #tpu.memory_space<hbm>> -> memref<2560xf32, #tpu.memory_space<hbm>>
      %dma_wait3A_23 = tpu.memref_slice %arg7[%mul3A_19] : memref<81920xf32, #tpu.memory_space<hbm>> -> memref<2560xf32, #tpu.memory_space<hbm>>
      tpu.wait_dma2 semaphore(%run_scoped3A : memref<!tpu.dma_semaphore, #tpu.memory_space<semaphore_mem>>) src(%arg12 : memref<2560xf32, #tpu.memory_space<vmem>>) dst(%dma_wait3A_23 : memref<2560xf32, #tpu.memory_space<hbm>>)
      tpu.yield
    }) : () -> ()
    %mul3A_20 = arith.constant 6 : i32
    %mul3A_21 = arith.muli %mul3A_2, %mul3A_20 : i32
    "tpu.region"() ({
      %run_scoped3A = tpu.sem_alloc : memref<!tpu.dma_semaphore, #tpu.memory_space<semaphore_mem>>
      %dma_start3A = tpu.memref_slice %arg8[%mul3A_21] : memref<61440xf32, #tpu.memory_space<hbm>> -> memref<1920xf32, #tpu.memory_space<hbm>>
      %dma_start3A_22 = tpu.memref_slice %arg8[%mul3A_21] : memref<61440xf32, #tpu.memory_space<hbm>> -> memref<1920xf32, #tpu.memory_space<hbm>>
      tpu.enqueue_dma source(%arg13 : memref<1920xf32, #tpu.memory_space<vmem>>) target(%dma_start3A_22 : memref<1920xf32, #tpu.memory_space<hbm>>) target_semaphore(%run_scoped3A : memref<!tpu.dma_semaphore, #tpu.memory_space<semaphore_mem>>)
      %dma_wait3A = tpu.memref_slice %arg8[%mul3A_21] : memref<61440xf32, #tpu.memory_space<hbm>> -> memref<1920xf32, #tpu.memory_space<hbm>>
      %dma_wait3A_23 = tpu.memref_slice %arg8[%mul3A_21] : memref<61440xf32, #tpu.memory_space<hbm>> -> memref<1920xf32, #tpu.memory_space<hbm>>
      tpu.wait_dma2 semaphore(%run_scoped3A : memref<!tpu.dma_semaphore, #tpu.memory_space<semaphore_mem>>) src(%arg13 : memref<1920xf32, #tpu.memory_space<vmem>>) dst(%dma_wait3A_23 : memref<1920xf32, #tpu.memory_space<hbm>>)
      tpu.yield
    }) : () -> ()
    return
  }
}

#map = affine_map<(d0, d1) -> (0)>
module attributes {stable_mosaic.version = 14 : i64} {
  func.func @k(%arg0: i32, %arg1: i32, %arg2: memref<320000xi32, #tpu.memory_space<hbm>>, %arg3: memref<320000xi32, #tpu.memory_space<hbm>>, %arg4: memref<30720xi32, #tpu.memory_space<hbm>>, %arg5: memref<30720xi32, #tpu.memory_space<hbm>>, %arg6: memref<30720xi32, #tpu.memory_space<hbm>>, %arg7: memref<10240xi32, #tpu.memory_space<hbm>>, %arg8: memref<8000xi32, #tpu.memory_space<vmem>>, %arg9: memref<8000xi32, #tpu.memory_space<vmem>>, %arg10: memref<30720xi32, #tpu.memory_space<vmem>>, %arg11: memref<30720xi32, #tpu.memory_space<vmem>>, %arg12: memref<10256xi32, #tpu.memory_space<vmem>>) attributes {dimension_semantics = [#tpu.dimension_semantics<core_parallel>, #tpu.dimension_semantics<subcore_parallel>], iteration_bounds = array<i64: 2, 16>, scalar_prefetch = 0 : i64, scratch_operands = 5 : i64, tpu.core_type = #tpu.core_type<sc_vector_subcore>, window_params = [{transform_indices = #map}, {transform_indices = #map}, {transform_indices = #map}, {transform_indices = #map}, {transform_indices = #map}, {transform_indices = #map}]} {
    %mul3A = arith.constant 2 : i32
    %mul3A_0 = arith.muli %arg1, %mul3A : i32
    %add3A = arith.addi %mul3A_0, %arg0 : i32
    %eq3A = arith.constant 0 : i32
    %eq3A_1 = arith.cmpi eq, %add3A, %eq3A : i32
    %convert_element_type3A = arith.extui %eq3A_1 : i1 to i32
    %cond3A = arith.constant 0 : i32
    %cond3A_2 = arith.cmpi ne, %convert_element_type3A, %cond3A : i32
    scf.if %cond3A_2 {
      "tpu.region"() ({
        %run_scoped3A = tpu.sem_alloc : memref<!tpu.dma_semaphore, #tpu.memory_space<semaphore_mem>>
        tpu.enqueue_dma source(%arg4 : memref<30720xi32, #tpu.memory_space<hbm>>) target(%arg10 : memref<30720xi32, #tpu.memory_space<vmem>>) target_semaphore(%run_scoped3A : memref<!tpu.dma_semaphore, #tpu.memory_space<semaphore_mem>>)
        tpu.wait_dma2 semaphore(%run_scoped3A : memref<!tpu.dma_semaphore, #tpu.memory_space<semaphore_mem>>) src(%arg4 : memref<30720xi32, #tpu.memory_space<hbm>>) dst(%arg10 : memref<30720xi32, #tpu.memory_space<vmem>>)
        tpu.yield
      }) : () -> ()
      "tpu.region"() ({
        %run_scoped3A = tpu.sem_alloc : memref<!tpu.dma_semaphore, #tpu.memory_space<semaphore_mem>>
        tpu.enqueue_dma source(%arg4 : memref<30720xi32, #tpu.memory_space<hbm>>) target(%arg11 : memref<30720xi32, #tpu.memory_space<vmem>>) target_semaphore(%run_scoped3A : memref<!tpu.dma_semaphore, #tpu.memory_space<semaphore_mem>>)
        tpu.wait_dma2 semaphore(%run_scoped3A : memref<!tpu.dma_semaphore, #tpu.memory_space<semaphore_mem>>) src(%arg4 : memref<30720xi32, #tpu.memory_space<hbm>>) dst(%arg11 : memref<30720xi32, #tpu.memory_space<vmem>>)
        tpu.yield
      }) : () -> ()
      "tpu.region"() ({
        %run_scoped3A = tpu.sem_alloc : memref<!tpu.dma_semaphore, #tpu.memory_space<semaphore_mem>>
        %dma_start3A = arith.constant 0 : i32
        %dma_start3A_9 = tpu.memref_slice %arg4[%dma_start3A] : memref<30720xi32, #tpu.memory_space<hbm>> -> memref<10256xi32, #tpu.memory_space<hbm>>
        %dma_start3A_10 = arith.constant 0 : i32
        %dma_start3A_11 = tpu.memref_slice %arg4[%dma_start3A_10] : memref<30720xi32, #tpu.memory_space<hbm>> -> memref<10256xi32, #tpu.memory_space<hbm>>
        tpu.enqueue_dma source(%dma_start3A_11 : memref<10256xi32, #tpu.memory_space<hbm>>) target(%arg12 : memref<10256xi32, #tpu.memory_space<vmem>>) target_semaphore(%run_scoped3A : memref<!tpu.dma_semaphore, #tpu.memory_space<semaphore_mem>>)
        %dma_wait3A = arith.constant 0 : i32
        %dma_wait3A_12 = tpu.memref_slice %arg4[%dma_wait3A] : memref<30720xi32, #tpu.memory_space<hbm>> -> memref<10256xi32, #tpu.memory_space<hbm>>
        %dma_wait3A_13 = arith.constant 0 : i32
        %dma_wait3A_14 = tpu.memref_slice %arg4[%dma_wait3A_13] : memref<30720xi32, #tpu.memory_space<hbm>> -> memref<10256xi32, #tpu.memory_space<hbm>>
        tpu.wait_dma2 semaphore(%run_scoped3A : memref<!tpu.dma_semaphore, #tpu.memory_space<semaphore_mem>>) src(%dma_wait3A_14 : memref<10256xi32, #tpu.memory_space<hbm>>) dst(%arg12 : memref<10256xi32, #tpu.memory_space<vmem>>)
        tpu.yield
      }) : () -> ()
      %iota3A = tpu.iota {dimensions = array<i32: 0>} : vector<16xi32>
      %broadcast_in_dim3A = arith.constant 1 : i32
      %broadcast_in_dim3A_3 = vector.broadcast %broadcast_in_dim3A : i32 to vector<16xi32>
      %scan3A = arith.constant 0 : i32
      %scan3A_4 = arith.constant 0 : i32
      %scan3A_5 = arith.constant 40 : i32
      %scan3A_6 = arith.addi %scan3A_4, %scan3A_5 : i32
      %scan3A_7 = arith.constant 1 : i32
      scf.for %scan3A_9 = %scan3A_4 to %scan3A_6 step %scan3A_7  : i32 {
        %mul3A_10 = arith.constant 8000 : i32
        %mul3A_11 = arith.muli %scan3A_9, %mul3A_10 : i32
        "tpu.region"() ({
          %run_scoped3A = tpu.sem_alloc : memref<!tpu.dma_semaphore, #tpu.memory_space<semaphore_mem>>
          %dma_start3A = tpu.memref_slice %arg2[%mul3A_11] : memref<320000xi32, #tpu.memory_space<hbm>> -> memref<8000xi32, #tpu.memory_space<hbm>>
          %dma_start3A_19 = tpu.memref_slice %arg2[%mul3A_11] : memref<320000xi32, #tpu.memory_space<hbm>> -> memref<8000xi32, #tpu.memory_space<hbm>>
          tpu.enqueue_dma source(%dma_start3A_19 : memref<8000xi32, #tpu.memory_space<hbm>>) target(%arg8 : memref<8000xi32, #tpu.memory_space<vmem>>) target_semaphore(%run_scoped3A : memref<!tpu.dma_semaphore, #tpu.memory_space<semaphore_mem>>)
          %dma_wait3A = tpu.memref_slice %arg2[%mul3A_11] : memref<320000xi32, #tpu.memory_space<hbm>> -> memref<8000xi32, #tpu.memory_space<hbm>>
          %dma_wait3A_20 = tpu.memref_slice %arg2[%mul3A_11] : memref<320000xi32, #tpu.memory_space<hbm>> -> memref<8000xi32, #tpu.memory_space<hbm>>
          tpu.wait_dma2 semaphore(%run_scoped3A : memref<!tpu.dma_semaphore, #tpu.memory_space<semaphore_mem>>) src(%dma_wait3A_20 : memref<8000xi32, #tpu.memory_space<hbm>>) dst(%arg8 : memref<8000xi32, #tpu.memory_space<vmem>>)
          tpu.yield
        }) : () -> ()
        %mul3A_12 = arith.constant 8000 : i32
        %mul3A_13 = arith.muli %scan3A_9, %mul3A_12 : i32
        "tpu.region"() ({
          %run_scoped3A = tpu.sem_alloc : memref<!tpu.dma_semaphore, #tpu.memory_space<semaphore_mem>>
          %dma_start3A = tpu.memref_slice %arg3[%mul3A_13] : memref<320000xi32, #tpu.memory_space<hbm>> -> memref<8000xi32, #tpu.memory_space<hbm>>
          %dma_start3A_19 = tpu.memref_slice %arg3[%mul3A_13] : memref<320000xi32, #tpu.memory_space<hbm>> -> memref<8000xi32, #tpu.memory_space<hbm>>
          tpu.enqueue_dma source(%dma_start3A_19 : memref<8000xi32, #tpu.memory_space<hbm>>) target(%arg9 : memref<8000xi32, #tpu.memory_space<vmem>>) target_semaphore(%run_scoped3A : memref<!tpu.dma_semaphore, #tpu.memory_space<semaphore_mem>>)
          %dma_wait3A = tpu.memref_slice %arg3[%mul3A_13] : memref<320000xi32, #tpu.memory_space<hbm>> -> memref<8000xi32, #tpu.memory_space<hbm>>
          %dma_wait3A_20 = tpu.memref_slice %arg3[%mul3A_13] : memref<320000xi32, #tpu.memory_space<hbm>> -> memref<8000xi32, #tpu.memory_space<hbm>>
          tpu.wait_dma2 semaphore(%run_scoped3A : memref<!tpu.dma_semaphore, #tpu.memory_space<semaphore_mem>>) src(%dma_wait3A_20 : memref<8000xi32, #tpu.memory_space<hbm>>) dst(%arg9 : memref<8000xi32, #tpu.memory_space<vmem>>)
          tpu.yield
        }) : () -> ()
        %scan3A_14 = arith.constant 0 : i32
        %scan3A_15 = arith.constant 500 : i32
        %scan3A_16 = arith.addi %scan3A_14, %scan3A_15 : i32
        %scan3A_17 = arith.constant 1 : i32
        scf.for %scan3A_19 = %scan3A_14 to %scan3A_16 step %scan3A_17  : i32 {
          %mul3A_20 = arith.constant 16 : i32
          %mul3A_21 = arith.muli %scan3A_19, %mul3A_20 : i32
          %get3A = arith.index_cast %mul3A_21 : i32 to index
          %get3A_22 = tpu.vector_load %arg8[%get3A] {strides = array<i32>} : memref<8000xi32, #tpu.memory_space<vmem>>, vector<16xi32>,
          %mul3A_23 = arith.constant 16 : i32
          %mul3A_24 = arith.muli %scan3A_19, %mul3A_23 : i32
          %get3A_25 = arith.index_cast %mul3A_24 : i32 to index
          %get3A_26 = tpu.vector_load %arg9[%get3A_25] {strides = array<i32>} : memref<8000xi32, #tpu.memory_space<vmem>>, vector<16xi32>,
          %mul3A_27 = arith.constant 8000 : i32
          %mul3A_28 = arith.muli %scan3A_9, %mul3A_27 : i32
          %mul3A_29 = arith.constant 16 : i32
          %mul3A_30 = arith.muli %scan3A_19, %mul3A_29 : i32
          %add3A_31 = arith.addi %mul3A_28, %mul3A_30 : i32
          %add3A_32 = vector.broadcast %add3A_31 : i32 to vector<16xi32>
          %add3A_33 = arith.addi %add3A_32, %iota3A : vector<16xi32>
          %shift_right_logical3A = arith.constant 1 : i32
          %shift_right_logical3A_34 = vector.broadcast %shift_right_logical3A : i32 to vector<16xi32>
          %shift_right_logical3A_35 = arith.shrui %add3A_33, %shift_right_logical3A_34 : vector<16xi32>
          %ne3A = arith.cmpi ne, %get3A_22, %get3A_26 : vector<16xi32>
          %add3A_36 = arith.constant 10240 : i32
          %add3A_37 = vector.broadcast %add3A_36 : i32 to vector<16xi32>
          %add3A_38 = arith.addi %add3A_37, %iota3A : vector<16xi32>
          %select_n3A = arith.select %ne3A, %get3A_22, %add3A_38 : vector<16xi1>, vector<16xi32>
          %broadcast_in_dim3A_39 = arith.constant true
          %broadcast_in_dim3A_40 = vector.broadcast %broadcast_in_dim3A_39 : i1 to vector<16xi1>
          %unique3A, %unique3A_41 = tpu.scan_count mask(%broadcast_in_dim3A_40 : vector<16xi1>) value(%select_n3A : vector<16xi32>) : vector<16xi1>, vector<16xi32>
          %gather3A = tpu.vector_load_idx %arg12[%select_n3A] : memref<10256xi32, #tpu.memory_space<vmem>>[vector<16xi32>], vector<16xi32>,
          %add3A_42 = arith.addi %gather3A, %unique3A_41 : vector<16xi32>
          %sub3A = arith.constant 1 : i32
          %sub3A_43 = vector.broadcast %sub3A : i32 to vector<16xi32>
          %sub3A_44 = arith.subi %add3A_42, %sub3A_43 : vector<16xi32>
          %lt3A = arith.constant 3 : i32
          %lt3A_45 = vector.broadcast %lt3A : i32 to vector<16xi32>
          %lt3A_46 = arith.cmpi slt, %sub3A_44, %lt3A_45 : vector<16xi32>
          %and3A = arith.andi %ne3A, %lt3A_46 : vector<16xi1>
          %mul3A_47 = arith.constant 3 : i32
          %mul3A_48 = vector.broadcast %mul3A_47 : i32 to vector<16xi32>
          %mul3A_49 = arith.muli %get3A_22, %mul3A_48 : vector<16xi32>
          %jit3A = arith.constant 0 : i32
          %jit3A_50 = arith.constant 2 : i32
          %max3A = vector.broadcast %jit3A : i32 to vector<16xi32>
          %max3A_51 = arith.maxsi %max3A, %sub3A_44 : vector<16xi32>
          %min3A = vector.broadcast %jit3A_50 : i32 to vector<16xi32>
          %min3A_52 = arith.minsi %min3A, %max3A_51 : vector<16xi32>
          %add3A_53 = arith.addi %mul3A_49, %min3A_52 : vector<16xi32>
          tpu.vector_store_idx %arg10[%add3A_53], %get3A_26 masked %and3A : memref<30720xi32, #tpu.memory_space<vmem>>[vector<16xi32>], vector<16xi32>, vector<16xi1>
          tpu.vector_store_idx %arg11[%add3A_53], %shift_right_logical3A_35 masked %and3A : memref<30720xi32, #tpu.memory_space<vmem>>[vector<16xi32>], vector<16xi32>, vector<16xi1>
          tpu.vector_store_idx %arg12[%select_n3A], %broadcast_in_dim3A_3 {add = true} : memref<10256xi32, #tpu.memory_space<vmem>>[vector<16xi32>], vector<16xi32>,
        }
        %scan3A_18 = arith.constant 500 : i32
      }
      %scan3A_8 = arith.constant 40 : i32
      "tpu.region"() ({
        %run_scoped3A = tpu.sem_alloc : memref<!tpu.dma_semaphore, #tpu.memory_space<semaphore_mem>>
        tpu.enqueue_dma source(%arg10 : memref<30720xi32, #tpu.memory_space<vmem>>) target(%arg5 : memref<30720xi32, #tpu.memory_space<hbm>>) target_semaphore(%run_scoped3A : memref<!tpu.dma_semaphore, #tpu.memory_space<semaphore_mem>>)
        tpu.wait_dma2 semaphore(%run_scoped3A : memref<!tpu.dma_semaphore, #tpu.memory_space<semaphore_mem>>) src(%arg10 : memref<30720xi32, #tpu.memory_space<vmem>>) dst(%arg5 : memref<30720xi32, #tpu.memory_space<hbm>>)
        tpu.yield
      }) : () -> ()
      "tpu.region"() ({
        %run_scoped3A = tpu.sem_alloc : memref<!tpu.dma_semaphore, #tpu.memory_space<semaphore_mem>>
        tpu.enqueue_dma source(%arg11 : memref<30720xi32, #tpu.memory_space<vmem>>) target(%arg6 : memref<30720xi32, #tpu.memory_space<hbm>>) target_semaphore(%run_scoped3A : memref<!tpu.dma_semaphore, #tpu.memory_space<semaphore_mem>>)
        tpu.wait_dma2 semaphore(%run_scoped3A : memref<!tpu.dma_semaphore, #tpu.memory_space<semaphore_mem>>) src(%arg11 : memref<30720xi32, #tpu.memory_space<vmem>>) dst(%arg6 : memref<30720xi32, #tpu.memory_space<hbm>>)
        tpu.yield
      }) : () -> ()
      "tpu.region"() ({
        %run_scoped3A = tpu.sem_alloc : memref<!tpu.dma_semaphore, #tpu.memory_space<semaphore_mem>>
        %dma_start3A = arith.constant 0 : i32
        %dma_start3A_9 = tpu.memref_slice %arg12[%dma_start3A] : memref<10256xi32, #tpu.memory_space<vmem>> -> memref<10240xi32, #tpu.memory_space<vmem>>
        %dma_start3A_10 = arith.constant 0 : i32
        %dma_start3A_11 = tpu.memref_slice %arg12[%dma_start3A_10] : memref<10256xi32, #tpu.memory_space<vmem>> -> memref<10240xi32, #tpu.memory_space<vmem>>
        tpu.enqueue_dma source(%dma_start3A_11 : memref<10240xi32, #tpu.memory_space<vmem>>) target(%arg7 : memref<10240xi32, #tpu.memory_space<hbm>>) target_semaphore(%run_scoped3A : memref<!tpu.dma_semaphore, #tpu.memory_space<semaphore_mem>>)
        %dma_wait3A = arith.constant 0 : i32
        %dma_wait3A_12 = tpu.memref_slice %arg12[%dma_wait3A] : memref<10256xi32, #tpu.memory_space<vmem>> -> memref<10240xi32, #tpu.memory_space<vmem>>
        %dma_wait3A_13 = arith.constant 0 : i32
        %dma_wait3A_14 = tpu.memref_slice %arg12[%dma_wait3A_13] : memref<10256xi32, #tpu.memory_space<vmem>> -> memref<10240xi32, #tpu.memory_space<vmem>>
        tpu.wait_dma2 semaphore(%run_scoped3A : memref<!tpu.dma_semaphore, #tpu.memory_space<semaphore_mem>>) src(%dma_wait3A_14 : memref<10240xi32, #tpu.memory_space<vmem>>) dst(%arg7 : memref<10240xi32, #tpu.memory_space<hbm>>)
        tpu.yield
      }) : () -> ()
    } else {
    }
    return
  }
}

module attributes {stable_mosaic.version = 14 : i64} {
  func.func @_node_mlp_body(%arg0: i32, %arg1: memref<2000x128xf32, #tpu.memory_space<vmem>>, %arg2: memref<128x128xf32, #tpu.memory_space<vmem>>, %arg3: memref<1x128xf32, #tpu.memory_space<vmem>>, %arg4: memref<128x2xf32, #tpu.memory_space<vmem>>, %arg5: memref<1x2xf32, #tpu.memory_space<vmem>>, %arg6: memref<2000x2xf32, #tpu.memory_space<vmem>>) attributes {dimension_semantics = [#tpu.dimension_semantics<arbitrary>], iteration_bounds = array<i64: 5>, scalar_prefetch = 0 : i64, scratch_operands = 0 : i64, tpu.core_type = #tpu.core_type<tc>, window_params = [{transform_indices = @transform_0, window_bounds = array<i64: 2000, 128>}, {pipeline_mode = #tpu.pipeline_mode<synchronous>, transform_indices = @transform_1, window_bounds = array<i64: 128, 128>}, {pipeline_mode = #tpu.pipeline_mode<synchronous>, transform_indices = @transform_2, window_bounds = array<i64: 1, 128>}, {pipeline_mode = #tpu.pipeline_mode<synchronous>, transform_indices = @transform_3, window_bounds = array<i64: 128, 2>}, {pipeline_mode = #tpu.pipeline_mode<synchronous>, transform_indices = @transform_4, window_bounds = array<i64: 1, 2>}, {transform_indices = @transform_5, window_bounds = array<i64: 2000, 2>}]} {
    %get3A = arith.constant 0 : index
    %get3A_0 = arith.constant 0 : index
    %get3A_1 = vector.load %arg1[%get3A, %get3A_0] : memref<2000x128xf32, #tpu.memory_space<vmem>>, vector<2000x128xf32>
    %get3A_2 = arith.constant 0 : index
    %get3A_3 = arith.constant 0 : index
    %get3A_4 = vector.load %arg2[%get3A_2, %get3A_3] : memref<128x128xf32, #tpu.memory_space<vmem>>, vector<128x128xf32>
    %dot_general3A = arith.constant dense<0.000000e+00> : vector<2000x128xf32>
    %dot_general3A_5 = tpu.matmul %get3A_1, %get3A_4, %dot_general3A {dimension_numbers = #tpu.dot_dimension_numbers<[1], [0], [0], [1], [0, 0, 1, 1], [], []>, transpose_lhs_hint = false} : vector<2000x128xf32>, vector<128x128xf32>, vector<2000x128xf32> -> vector<2000x128xf32>
    %get3A_6 = arith.constant 0 : index
    %get3A_7 = arith.constant 0 : index
    %get3A_8 = vector.load %arg3[%get3A_6, %get3A_7] : memref<1x128xf32, #tpu.memory_space<vmem>>, vector<1x128xf32>
    %add3A = vector.broadcast %get3A_8 : vector<1x128xf32> to vector<2000x128xf32>
    %add3A_9 = arith.addf %dot_general3A_5, %add3A : vector<2000x128xf32>
    %ge3A = arith.constant 0.000000e+00 : f32
    %ge3A_10 = vector.broadcast %ge3A : f32 to vector<2000x128xf32>
    %ge3A_11 = arith.cmpf oge, %add3A_9, %ge3A_10 : vector<2000x128xf32>
    %mul3A = arith.constant 0.00999999977 : f32
    %mul3A_12 = vector.broadcast %mul3A : f32 to vector<2000x128xf32>
    %mul3A_13 = arith.mulf %mul3A_12, %add3A_9 : vector<2000x128xf32>
    %select_n3A = arith.select %ge3A_11, %add3A_9, %mul3A_13 : vector<2000x128xi1>, vector<2000x128xf32>
    %get3A_14 = arith.constant 0 : index
    %get3A_15 = arith.constant 0 : index
    %get3A_16 = vector.load %arg4[%get3A_14, %get3A_15] : memref<128x2xf32, #tpu.memory_space<vmem>>, vector<128x2xf32>
    %dot_general3A_17 = arith.constant dense<0.000000e+00> : vector<2000x2xf32>
    %dot_general3A_18 = tpu.matmul %select_n3A, %get3A_16, %dot_general3A_17 {dimension_numbers = #tpu.dot_dimension_numbers<[1], [0], [0], [1], [0, 0, 1, 1], [], []>, transpose_lhs_hint = false} : vector<2000x128xf32>, vector<128x2xf32>, vector<2000x2xf32> -> vector<2000x2xf32>
    %get3A_19 = arith.constant 0 : index
    %get3A_20 = arith.constant 0 : index
    %get3A_21 = vector.load %arg5[%get3A_19, %get3A_20] : memref<1x2xf32, #tpu.memory_space<vmem>>, vector<1x2xf32>
    %add3A_22 = vector.broadcast %get3A_21 : vector<1x2xf32> to vector<2000x2xf32>
    %add3A_23 = arith.addf %dot_general3A_18, %add3A_22 : vector<2000x2xf32>
    %tanh3A = math.tanh %add3A_23 : vector<2000x2xf32>
    %mul3A_24 = arith.constant 3.14159274 : f32
    %mul3A_25 = vector.broadcast %mul3A_24 : f32 to vector<2000x2xf32>
    %mul3A_26 = arith.mulf %tanh3A, %mul3A_25 : vector<2000x2xf32>
    %swap3A = arith.constant 0 : index
    %swap3A_27 = arith.constant 0 : index
    %swap3A_28 = vector.load %arg6[%swap3A, %swap3A_27] : memref<2000x2xf32, #tpu.memory_space<vmem>>, vector<2000x2xf32>
    tpu.vector_store %arg6[%swap3A, %swap3A_27], %mul3A_26 {strides = array<i32>} : memref<2000x2xf32, #tpu.memory_space<vmem>>, vector<2000x2xf32>,
    return
  }
  func.func @transform_0(%arg0: i32) -> (i32, i32) {
    %c0_i32 = arith.constant 0 : i32
    %c0_i32_0 = arith.constant 0 : i32
    return %arg0, %c0_i32 : i32, i32
  }
  func.func @transform_1(%arg0: i32) -> (i32, i32) {
    %c0_i32 = arith.constant 0 : i32
    %c0_i32_0 = arith.constant 0 : i32
    %c0_i32_1 = arith.constant 0 : i32
    return %c0_i32, %c0_i32_0 : i32, i32
  }
  func.func @transform_2(%arg0: i32) -> (i32, i32) {
    %c0_i32 = arith.constant 0 : i32
    %c0_i32_0 = arith.constant 0 : i32
    %c0_i32_1 = arith.constant 0 : i32
    return %c0_i32, %c0_i32_0 : i32, i32
  }
  func.func @transform_3(%arg0: i32) -> (i32, i32) {
    %c0_i32 = arith.constant 0 : i32
    %c0_i32_0 = arith.constant 0 : i32
    %c0_i32_1 = arith.constant 0 : i32
    return %c0_i32, %c0_i32_0 : i32, i32
  }
  func.func @transform_4(%arg0: i32) -> (i32, i32) {
    %c0_i32 = arith.constant 0 : i32
    %c0_i32_0 = arith.constant 0 : i32
    %c0_i32_1 = arith.constant 0 : i32
    return %c0_i32, %c0_i32_0 : i32, i32
  }
  func.func @transform_5(%arg0: i32) -> (i32, i32) {
    %c0_i32 = arith.constant 0 : i32
    %c0_i32_0 = arith.constant 0 : i32
    return %arg0, %c0_i32 : i32, i32
  }
}

module attributes {stable_mosaic.version = 14 : i64} {
  func.func @_node_mlp_body(%arg0: i32, %arg1: memref<8000x16xf32, #tpu.memory_space<vmem>>, %arg2: memref<16x128xf32, #tpu.memory_space<vmem>>, %arg3: memref<1x128xf32, #tpu.memory_space<vmem>>, %arg4: memref<128x2xf32, #tpu.memory_space<vmem>>, %arg5: memref<1x2xf32, #tpu.memory_space<vmem>>, %arg6: memref<8000x2xf32, #tpu.memory_space<vmem>>) attributes {dimension_semantics = [#tpu.dimension_semantics<arbitrary>], iteration_bounds = array<i64: 20>, scalar_prefetch = 0 : i64, scratch_operands = 0 : i64, tpu.core_type = #tpu.core_type<tc>, window_params = [{transform_indices = @transform_0, window_bounds = array<i64: 8000, 16>}, {pipeline_mode = #tpu.pipeline_mode<synchronous>, transform_indices = @transform_1, window_bounds = array<i64: 16, 128>}, {pipeline_mode = #tpu.pipeline_mode<synchronous>, transform_indices = @transform_2, window_bounds = array<i64: 1, 128>}, {pipeline_mode = #tpu.pipeline_mode<synchronous>, transform_indices = @transform_3, window_bounds = array<i64: 128, 2>}, {pipeline_mode = #tpu.pipeline_mode<synchronous>, transform_indices = @transform_4, window_bounds = array<i64: 1, 2>}, {transform_indices = @transform_5, window_bounds = array<i64: 8000, 2>}]} {
    %get3A = arith.constant 0 : index
    %get3A_0 = arith.constant 0 : index
    %get3A_1 = vector.load %arg1[%get3A, %get3A_0] : memref<8000x16xf32, #tpu.memory_space<vmem>>, vector<8000x16xf32>
    %get3A_2 = arith.constant 0 : index
    %get3A_3 = arith.constant 0 : index
    %get3A_4 = vector.load %arg2[%get3A_2, %get3A_3] : memref<16x128xf32, #tpu.memory_space<vmem>>, vector<16x128xf32>
    %dot_general3A = arith.constant dense<0.000000e+00> : vector<8000x128xf32>
    %dot_general3A_5 = tpu.matmul %get3A_1, %get3A_4, %dot_general3A {dimension_numbers = #tpu.dot_dimension_numbers<[1], [0], [0], [1], [0, 0, 1, 1], [], []>, transpose_lhs_hint = false} : vector<8000x16xf32>, vector<16x128xf32>, vector<8000x128xf32> -> vector<8000x128xf32>
    %get3A_6 = arith.constant 0 : index
    %get3A_7 = arith.constant 0 : index
    %get3A_8 = vector.load %arg3[%get3A_6, %get3A_7] : memref<1x128xf32, #tpu.memory_space<vmem>>, vector<1x128xf32>
    %add3A = vector.broadcast %get3A_8 : vector<1x128xf32> to vector<8000x128xf32>
    %add3A_9 = arith.addf %dot_general3A_5, %add3A : vector<8000x128xf32>
    %ge3A = arith.constant 0.000000e+00 : f32
    %ge3A_10 = vector.broadcast %ge3A : f32 to vector<8000x128xf32>
    %ge3A_11 = arith.cmpf oge, %add3A_9, %ge3A_10 : vector<8000x128xf32>
    %mul3A = arith.constant 0.00999999977 : f32
    %mul3A_12 = vector.broadcast %mul3A : f32 to vector<8000x128xf32>
    %mul3A_13 = arith.mulf %mul3A_12, %add3A_9 : vector<8000x128xf32>
    %select_n3A = arith.select %ge3A_11, %add3A_9, %mul3A_13 : vector<8000x128xi1>, vector<8000x128xf32>
    %get3A_14 = arith.constant 0 : index
    %get3A_15 = arith.constant 0 : index
    %get3A_16 = vector.load %arg4[%get3A_14, %get3A_15] : memref<128x2xf32, #tpu.memory_space<vmem>>, vector<128x2xf32>
    %dot_general3A_17 = arith.constant dense<0.000000e+00> : vector<8000x2xf32>
    %dot_general3A_18 = tpu.matmul %select_n3A, %get3A_16, %dot_general3A_17 {dimension_numbers = #tpu.dot_dimension_numbers<[1], [0], [0], [1], [0, 0, 1, 1], [], []>, transpose_lhs_hint = false} : vector<8000x128xf32>, vector<128x2xf32>, vector<8000x2xf32> -> vector<8000x2xf32>
    %get3A_19 = arith.constant 0 : index
    %get3A_20 = arith.constant 0 : index
    %get3A_21 = vector.load %arg5[%get3A_19, %get3A_20] : memref<1x2xf32, #tpu.memory_space<vmem>>, vector<1x2xf32>
    %add3A_22 = vector.broadcast %get3A_21 : vector<1x2xf32> to vector<8000x2xf32>
    %add3A_23 = arith.addf %dot_general3A_18, %add3A_22 : vector<8000x2xf32>
    %tanh3A = math.tanh %add3A_23 : vector<8000x2xf32>
    %mul3A_24 = arith.constant 3.14159274 : f32
    %mul3A_25 = vector.broadcast %mul3A_24 : f32 to vector<8000x2xf32>
    %mul3A_26 = arith.mulf %tanh3A, %mul3A_25 : vector<8000x2xf32>
    %swap3A = arith.constant 0 : index
    %swap3A_27 = arith.constant 0 : index
    %swap3A_28 = vector.load %arg6[%swap3A, %swap3A_27] : memref<8000x2xf32, #tpu.memory_space<vmem>>, vector<8000x2xf32>
    tpu.vector_store %arg6[%swap3A, %swap3A_27], %mul3A_26 {strides = array<i32>} : memref<8000x2xf32, #tpu.memory_space<vmem>>, vector<8000x2xf32>,
    return
  }
  func.func @transform_0(%arg0: i32) -> (i32, i32) {
    %c0_i32 = arith.constant 0 : i32
    %c0_i32_0 = arith.constant 0 : i32
    return %arg0, %c0_i32 : i32, i32
  }
  func.func @transform_1(%arg0: i32) -> (i32, i32) {
    %c0_i32 = arith.constant 0 : i32
    %c0_i32_0 = arith.constant 0 : i32
    %c0_i32_1 = arith.constant 0 : i32
    return %c0_i32, %c0_i32_0 : i32, i32
  }
  func.func @transform_2(%arg0: i32) -> (i32, i32) {
    %c0_i32 = arith.constant 0 : i32
    %c0_i32_0 = arith.constant 0 : i32
    %c0_i32_1 = arith.constant 0 : i32
    return %c0_i32, %c0_i32_0 : i32, i32
  }
  func.func @transform_3(%arg0: i32) -> (i32, i32) {
    %c0_i32 = arith.constant 0 : i32
    %c0_i32_0 = arith.constant 0 : i32
    %c0_i32_1 = arith.constant 0 : i32
    return %c0_i32, %c0_i32_0 : i32, i32
  }
  func.func @transform_4(%arg0: i32) -> (i32, i32) {
    %c0_i32 = arith.constant 0 : i32
    %c0_i32_0 = arith.constant 0 : i32
    %c0_i32_1 = arith.constant 0 : i32
    return %c0_i32, %c0_i32_0 : i32, i32
  }
  func.func @transform_5(%arg0: i32) -> (i32, i32) {
    %c0_i32 = arith.constant 0 : i32
    %c0_i32_0 = arith.constant 0 : i32
    return %arg0, %c0_i32 : i32, i32
  }
}

module attributes {stable_mosaic.version = 14 : i64} {
  func.func @_finish_body(%arg0: i32, %arg1: memref<2000x8xf32, #tpu.memory_space<vmem>>, %arg2: memref<2000x6xf32, #tpu.memory_space<vmem>>, %arg3: memref<2000x2xf32, #tpu.memory_space<vmem>>, %arg4: memref<2000x1xi32, #tpu.memory_space<vmem>>, %arg5: memref<2000x1xi32, #tpu.memory_space<vmem>>, %arg6: memref<6x1xf32, #tpu.memory_space<vmem>>, %arg7: memref<8x1xf32, #tpu.memory_space<vmem>>, %arg8: memref<2x128xf32, #tpu.memory_space<vmem>>, %arg9: memref<1x128xf32, #tpu.memory_space<vmem>>, %arg10: memref<1x128xf32, #tpu.memory_space<vmem>>, %arg11: memref<128x2xf32, #tpu.memory_space<vmem>>, %arg12: memref<1x2xf32, #tpu.memory_space<vmem>>, %arg13: memref<2x2xf32, #tpu.memory_space<vmem>>, %arg14: memref<1x2xf32, #tpu.memory_space<vmem>>, %arg15: memref<2x2xf32, #tpu.memory_space<vmem>>, %arg16: memref<1x2xf32, #tpu.memory_space<vmem>>, %arg17: memref<64x2xf32, #tpu.memory_space<vmem>>, %arg18: memref<64x2xf32, #tpu.memory_space<vmem>>, %arg19: memref<64x1xf32, #tpu.memory_space<vmem>>) attributes {dimension_semantics = [#tpu.dimension_semantics<arbitrary>], iteration_bounds = array<i64: 5>, scalar_prefetch = 0 : i64, scratch_operands = 2 : i64, tpu.core_type = #tpu.core_type<tc>, window_params = [{transform_indices = @transform_0, window_bounds = array<i64: 2000, 8>}, {transform_indices = @transform_1, window_bounds = array<i64: 2000, 6>}, {transform_indices = @transform_2, window_bounds = array<i64: 2000, 2>}, {transform_indices = @transform_3, window_bounds = array<i64: 2000, 1>}, {transform_indices = @transform_4, window_bounds = array<i64: 2000, 1>}, {pipeline_mode = #tpu.pipeline_mode<synchronous>, transform_indices = @transform_5, window_bounds = array<i64: 6, 1>}, {pipeline_mode = #tpu.pipeline_mode<synchronous>, transform_indices = @transform_6, window_bounds = array<i64: 8, 1>}, {pipeline_mode = #tpu.pipeline_mode<synchronous>, transform_indices = @transform_7, window_bounds = array<i64: 2, 128>}, {pipeline_mode = #tpu.pipeline_mode<synchronous>, transform_indices = @transform_8, window_bounds = array<i64: 1, 128>}, {pipeline_mode = #tpu.pipeline_mode<synchronous>, transform_indices = @transform_9, window_bounds = array<i64: 1, 128>}, {pipeline_mode = #tpu.pipeline_mode<synchronous>, transform_indices = @transform_10, window_bounds = array<i64: 128, 2>}, {pipeline_mode = #tpu.pipeline_mode<synchronous>, transform_indices = @transform_11, window_bounds = array<i64: 1, 2>}, {pipeline_mode = #tpu.pipeline_mode<synchronous>, transform_indices = @transform_12, window_bounds = array<i64: 2, 2>}, {pipeline_mode = #tpu.pipeline_mode<synchronous>, transform_indices = @transform_13, window_bounds = array<i64: 1, 2>}, {pipeline_mode = #tpu.pipeline_mode<synchronous>, transform_indices = @transform_14, window_bounds = array<i64: 2, 2>}, {pipeline_mode = #tpu.pipeline_mode<synchronous>, transform_indices = @transform_15, window_bounds = array<i64: 1, 2>}, {pipeline_mode = #tpu.pipeline_mode<synchronous>, transform_indices = @transform_16, window_bounds = array<i64: 64, 2>}]} {
    %get3A = arith.constant 0 : index
    %get3A_0 = arith.constant 0 : index
    %get3A_1 = vector.load %arg3[%get3A, %get3A_0] : memref<2000x2xf32, #tpu.memory_space<vmem>>, vector<2000x2xf32>
    %get3A_2 = arith.constant 0 : index
    %get3A_3 = arith.constant 0 : index
    %get3A_4 = vector.load %arg2[%get3A_2, %get3A_3] : memref<2000x6xf32, #tpu.memory_space<vmem>>, vector<2000x6xf32>
    %get3A_5 = arith.constant 0 : index
    %get3A_6 = arith.constant 0 : index
    %get3A_7 = vector.load %arg6[%get3A_5, %get3A_6] : memref<6x1xf32, #tpu.memory_space<vmem>>, vector<6x1xf32>
    %dot_general3A = arith.constant dense<0.000000e+00> : vector<2000x1xf32>
    %dot_general3A_8 = tpu.matmul %get3A_4, %get3A_7, %dot_general3A {dimension_numbers = #tpu.dot_dimension_numbers<[1], [0], [0], [1], [0, 0, 1, 1], [], []>, transpose_lhs_hint = false} : vector<2000x6xf32>, vector<6x1xf32>, vector<2000x1xf32> -> vector<2000x1xf32>
    %get3A_9 = arith.constant 0 : index
    %get3A_10 = arith.constant 0 : index
    %get3A_11 = vector.load %arg1[%get3A_9, %get3A_10] : memref<2000x8xf32, #tpu.memory_space<vmem>>, vector<2000x8xf32>
    %get3A_12 = arith.constant 0 : index
    %get3A_13 = arith.constant 0 : index
    %get3A_14 = vector.load %arg7[%get3A_12, %get3A_13] : memref<8x1xf32, #tpu.memory_space<vmem>>, vector<8x1xf32>
    %dot_general3A_15 = arith.constant dense<0.000000e+00> : vector<2000x1xf32>
    %dot_general3A_16 = tpu.matmul %get3A_11, %get3A_14, %dot_general3A_15 {dimension_numbers = #tpu.dot_dimension_numbers<[1], [0], [0], [1], [0, 0, 1, 1], [], []>, transpose_lhs_hint = false} : vector<2000x8xf32>, vector<8x1xf32>, vector<2000x1xf32> -> vector<2000x1xf32>
    %add3A = arith.addf %dot_general3A_8, %dot_general3A_16 : vector<2000x1xf32>
    %tanh3A = math.tanh %add3A : vector<2000x1xf32>
    %get3A_17 = arith.constant 0 : index
    %get3A_18 = arith.constant 0 : index
    %get3A_19 = vector.load %arg8[%get3A_17, %get3A_18] : memref<2x128xf32, #tpu.memory_space<vmem>>, vector<2x128xf32>
    %dot_general3A_20 = arith.constant dense<0.000000e+00> : vector<2000x128xf32>
    %dot_general3A_21 = tpu.matmul %get3A_1, %get3A_19, %dot_general3A_20 {dimension_numbers = #tpu.dot_dimension_numbers<[1], [0], [0], [1], [0, 0, 1, 1], [], []>, transpose_lhs_hint = false} : vector<2000x2xf32>, vector<2x128xf32>, vector<2000x128xf32> -> vector<2000x128xf32>
    %get3A_22 = arith.constant 0 : index
    %get3A_23 = arith.constant 0 : index
    %get3A_24 = vector.load %arg9[%get3A_22, %get3A_23] : memref<1x128xf32, #tpu.memory_space<vmem>>, vector<1x128xf32>
    %mul3A = vector.broadcast %tanh3A : vector<2000x1xf32> to vector<2000x128xf32>
    %mul3A_25 = vector.broadcast %get3A_24 : vector<1x128xf32> to vector<2000x128xf32>
    %mul3A_26 = arith.mulf %mul3A, %mul3A_25 : vector<2000x128xf32>
    %add3A_27 = arith.addf %dot_general3A_21, %mul3A_26 : vector<2000x128xf32>
    %get3A_28 = arith.constant 0 : index
    %get3A_29 = arith.constant 0 : index
    %get3A_30 = vector.load %arg10[%get3A_28, %get3A_29] : memref<1x128xf32, #tpu.memory_space<vmem>>, vector<1x128xf32>
    %add3A_31 = vector.broadcast %get3A_30 : vector<1x128xf32> to vector<2000x128xf32>
    %add3A_32 = arith.addf %add3A_27, %add3A_31 : vector<2000x128xf32>
    %ge3A = arith.constant 0.000000e+00 : f32
    %ge3A_33 = vector.broadcast %ge3A : f32 to vector<2000x128xf32>
    %ge3A_34 = arith.cmpf oge, %add3A_32, %ge3A_33 : vector<2000x128xf32>
    %mul3A_35 = arith.constant 0.00999999977 : f32
    %mul3A_36 = vector.broadcast %mul3A_35 : f32 to vector<2000x128xf32>
    %mul3A_37 = arith.mulf %mul3A_36, %add3A_32 : vector<2000x128xf32>
    %select_n3A = arith.select %ge3A_34, %add3A_32, %mul3A_37 : vector<2000x128xi1>, vector<2000x128xf32>
    %get3A_38 = arith.constant 0 : index
    %get3A_39 = arith.constant 0 : index
    %get3A_40 = vector.load %arg11[%get3A_38, %get3A_39] : memref<128x2xf32, #tpu.memory_space<vmem>>, vector<128x2xf32>
    %dot_general3A_41 = arith.constant dense<0.000000e+00> : vector<2000x2xf32>
    %dot_general3A_42 = tpu.matmul %select_n3A, %get3A_40, %dot_general3A_41 {dimension_numbers = #tpu.dot_dimension_numbers<[1], [0], [0], [1], [0, 0, 1, 1], [], []>, transpose_lhs_hint = false} : vector<2000x128xf32>, vector<128x2xf32>, vector<2000x2xf32> -> vector<2000x2xf32>
    %get3A_43 = arith.constant 0 : index
    %get3A_44 = arith.constant 0 : index
    %get3A_45 = vector.load %arg12[%get3A_43, %get3A_44] : memref<1x2xf32, #tpu.memory_space<vmem>>, vector<1x2xf32>
    %add3A_46 = vector.broadcast %get3A_45 : vector<1x2xf32> to vector<2000x2xf32>
    %add3A_47 = arith.addf %dot_general3A_42, %add3A_46 : vector<2000x2xf32>
    %get3A_48 = arith.constant 0 : index
    %get3A_49 = arith.constant 0 : index
    %get3A_50 = vector.load %arg4[%get3A_48, %get3A_49] : memref<2000x1xi32, #tpu.memory_space<vmem>>, vector<2000x1xi32>
    %ge3A_51 = arith.constant 3 : i32
    %ge3A_52 = vector.broadcast %ge3A_51 : i32 to vector<2000x1xi32>
    %ge3A_53 = arith.cmpi sge, %get3A_50, %ge3A_52 : vector<2000x1xi32>
    %jit3A = arith.constant 0.000000e+00 : f32
    %broadcast_in_dim3A = vector.shape_cast %ge3A_53 : vector<2000x1xi1> to vector<2000x1xi1>
    %broadcast_in_dim3A_54 = vector.broadcast %broadcast_in_dim3A : vector<2000x1xi1> to vector<2000x2xi1>
    %broadcast_in_dim3A_55 = vector.broadcast %jit3A : f32 to vector<2000x2xf32>
    %select_n3A_56 = arith.select %broadcast_in_dim3A_54, %add3A_47, %broadcast_in_dim3A_55 : vector<2000x2xi1>, vector<2000x2xf32>
    %add3A_57 = arith.addf %select_n3A_56, %get3A_1 : vector<2000x2xf32>
    %get3A_58 = arith.constant 0 : index
    %get3A_59 = arith.constant 0 : index
    %get3A_60 = vector.load %arg5[%get3A_58, %get3A_59] : memref<2000x1xi32, #tpu.memory_space<vmem>>, vector<2000x1xi32>
    %iota3A = tpu.iota {dimensions = array<i32: 1>} : vector<2000x64xi32>
    %eq3A = vector.broadcast %get3A_60 : vector<2000x1xi32> to vector<2000x64xi32>
    %eq3A_61 = arith.cmpi eq, %eq3A, %iota3A : vector<2000x64xi32>
    %convert_element_type3A = arith.extui %eq3A_61 : vector<2000x64xi1> to vector<2000x64xi32>
    %convert_element_type3A_62 = arith.sitofp %convert_element_type3A : vector<2000x64xi32> to vector<2000x64xf32>
    %dot_general3A_63 = arith.constant dense<0.000000e+00> : vector<64x2xf32>
    %dot_general3A_64 = tpu.matmul %convert_element_type3A_62, %add3A_57, %dot_general3A_63 {dimension_numbers = #tpu.dot_dimension_numbers<[0], [0], [1], [1], [0, 1, 1, 1], [], []>, transpose_lhs_hint = false} : vector<2000x64xf32>, vector<2000x2xf32>, vector<64x2xf32> -> vector<64x2xf32>
    %broadcast_in_dim3A_65 = arith.constant 1.000000e+00 : f32
    %broadcast_in_dim3A_66 = vector.broadcast %broadcast_in_dim3A_65 : f32 to vector<2000x1xf32>
    %dot_general3A_67 = arith.constant dense<0.000000e+00> : vector<64x1xf32>
    %dot_general3A_68 = tpu.matmul %convert_element_type3A_62, %broadcast_in_dim3A_66, %dot_general3A_67 {dimension_numbers = #tpu.dot_dimension_numbers<[0], [0], [1], [1], [0, 1, 1, 1], [], []>, transpose_lhs_hint = false} : vector<2000x64xf32>, vector<2000x1xf32>, vector<64x1xf32> -> vector<64x1xf32>
    %eq3A_69 = arith.constant 0 : i32
    %eq3A_70 = arith.cmpi eq, %arg0, %eq3A_69 : i32
    %convert_element_type3A_71 = arith.extui %eq3A_70 : i1 to i32
    %cond3A = arith.constant 0 : i32
    %cond3A_72 = arith.cmpi ne, %convert_element_type3A_71, %cond3A : i32
    scf.if %cond3A_72 {
      %swap3A = arith.constant 0 : index
      %swap3A_82 = arith.constant 0 : index
      %swap3A_83 = vector.load %arg18[%swap3A, %swap3A_82] : memref<64x2xf32, #tpu.memory_space<vmem>>, vector<64x2xf32>
      tpu.vector_store %arg18[%swap3A, %swap3A_82], %dot_general3A_64 {strides = array<i32>} : memref<64x2xf32, #tpu.memory_space<vmem>>, vector<64x2xf32>,
      %swap3A_84 = arith.constant 0 : index
      %swap3A_85 = arith.constant 0 : index
      %swap3A_86 = vector.load %arg19[%swap3A_84, %swap3A_85] : memref<64x1xf32, #tpu.memory_space<vmem>>, vector<64x1xf32>
      tpu.vector_store %arg19[%swap3A_84, %swap3A_85], %dot_general3A_68 {strides = array<i32>} : memref<64x1xf32, #tpu.memory_space<vmem>>, vector<64x1xf32>,
    } else {
    }
    %gt3A = arith.constant 0 : i32
    %gt3A_73 = arith.cmpi sgt, %arg0, %gt3A : i32
    %convert_element_type3A_74 = arith.extui %gt3A_73 : i1 to i32
    %cond3A_75 = arith.constant 0 : i32
    %cond3A_76 = arith.cmpi ne, %convert_element_type3A_74, %cond3A_75 : i32
    scf.if %cond3A_76 {
      %get3A_82 = arith.constant 0 : index
      %get3A_83 = arith.constant 0 : index
      %get3A_84 = vector.load %arg18[%get3A_82, %get3A_83] : memref<64x2xf32, #tpu.memory_space<vmem>>, vector<64x2xf32>
      %add3A_85 = arith.addf %get3A_84, %dot_general3A_64 : vector<64x2xf32>
      %swap3A = arith.constant 0 : index
      %swap3A_86 = arith.constant 0 : index
      %swap3A_87 = vector.load %arg18[%swap3A, %swap3A_86] : memref<64x2xf32, #tpu.memory_space<vmem>>, vector<64x2xf32>
      tpu.vector_store %arg18[%swap3A, %swap3A_86], %add3A_85 {strides = array<i32>} : memref<64x2xf32, #tpu.memory_space<vmem>>, vector<64x2xf32>,
      %get3A_88 = arith.constant 0 : index
      %get3A_89 = arith.constant 0 : index
      %get3A_90 = vector.load %arg19[%get3A_88, %get3A_89] : memref<64x1xf32, #tpu.memory_space<vmem>>, vector<64x1xf32>
      %add3A_91 = arith.addf %get3A_90, %dot_general3A_68 : vector<64x1xf32>
      %swap3A_92 = arith.constant 0 : index
      %swap3A_93 = arith.constant 0 : index
      %swap3A_94 = vector.load %arg19[%swap3A_92, %swap3A_93] : memref<64x1xf32, #tpu.memory_space<vmem>>, vector<64x1xf32>
      tpu.vector_store %arg19[%swap3A_92, %swap3A_93], %add3A_91 {strides = array<i32>} : memref<64x1xf32, #tpu.memory_space<vmem>>, vector<64x1xf32>,
    } else {
    }
    %eq3A_77 = arith.constant 4 : i32
    %eq3A_78 = arith.cmpi eq, %arg0, %eq3A_77 : i32
    %convert_element_type3A_79 = arith.extui %eq3A_78 : i1 to i32
    %cond3A_80 = arith.constant 0 : i32
    %cond3A_81 = arith.cmpi ne, %convert_element_type3A_79, %cond3A_80 : i32
    scf.if %cond3A_81 {
      %get3A_82 = arith.constant 0 : index
      %get3A_83 = arith.constant 0 : index
      %get3A_84 = vector.load %arg18[%get3A_82, %get3A_83] : memref<64x2xf32, #tpu.memory_space<vmem>>, vector<64x2xf32>
      %get3A_85 = arith.constant 0 : index
      %get3A_86 = arith.constant 0 : index
      %get3A_87 = vector.load %arg19[%get3A_85, %get3A_86] : memref<64x1xf32, #tpu.memory_space<vmem>>, vector<64x1xf32>
      %jit3A_88 = arith.constant 1.000000e+00 : f32
      %max3A = vector.broadcast %jit3A_88 : f32 to vector<64x1xf32>
      %max3A_89 = arith.maximumf %max3A, %get3A_87 : vector<64x1xf32>
      %div3A = vector.broadcast %max3A_89 : vector<64x1xf32> to vector<64x2xf32>
      %div3A_90 = arith.divf %get3A_84, %div3A : vector<64x2xf32>
      %get3A_91 = arith.constant 0 : index
      %get3A_92 = arith.constant 0 : index
      %get3A_93 = vector.load %arg13[%get3A_91, %get3A_92] : memref<2x2xf32, #tpu.memory_space<vmem>>, vector<2x2xf32>
      %dot_general3A_94 = arith.constant dense<0.000000e+00> : vector<64x2xf32>
      %dot_general3A_95 = tpu.matmul %div3A_90, %get3A_93, %dot_general3A_94 {dimension_numbers = #tpu.dot_dimension_numbers<[1], [0], [0], [1], [0, 0, 1, 1], [], []>, transpose_lhs_hint = false} : vector<64x2xf32>, vector<2x2xf32>, vector<64x2xf32> -> vector<64x2xf32>
      %get3A_96 = arith.constant 0 : index
      %get3A_97 = arith.constant 0 : index
      %get3A_98 = vector.load %arg14[%get3A_96, %get3A_97] : memref<1x2xf32, #tpu.memory_space<vmem>>, vector<1x2xf32>
      %add3A_99 = vector.broadcast %get3A_98 : vector<1x2xf32> to vector<64x2xf32>
      %add3A_100 = arith.addf %dot_general3A_95, %add3A_99 : vector<64x2xf32>
      %ge3A_101 = arith.constant 0.000000e+00 : f32
      %ge3A_102 = vector.broadcast %ge3A_101 : f32 to vector<64x2xf32>
      %ge3A_103 = arith.cmpf oge, %add3A_100, %ge3A_102 : vector<64x2xf32>
      %mul3A_104 = arith.constant 0.00999999977 : f32
      %mul3A_105 = vector.broadcast %mul3A_104 : f32 to vector<64x2xf32>
      %mul3A_106 = arith.mulf %mul3A_105, %add3A_100 : vector<64x2xf32>
      %select_n3A_107 = arith.select %ge3A_103, %add3A_100, %mul3A_106 : vector<64x2xi1>, vector<64x2xf32>
      %get3A_108 = arith.constant 0 : index
      %get3A_109 = arith.constant 0 : index
      %get3A_110 = vector.load %arg15[%get3A_108, %get3A_109] : memref<2x2xf32, #tpu.memory_space<vmem>>, vector<2x2xf32>
      %dot_general3A_111 = arith.constant dense<0.000000e+00> : vector<64x2xf32>
      %dot_general3A_112 = tpu.matmul %select_n3A_107, %get3A_110, %dot_general3A_111 {dimension_numbers = #tpu.dot_dimension_numbers<[1], [0], [0], [1], [0, 0, 1, 1], [], []>, transpose_lhs_hint = false} : vector<64x2xf32>, vector<2x2xf32>, vector<64x2xf32> -> vector<64x2xf32>
      %get3A_113 = arith.constant 0 : index
      %get3A_114 = arith.constant 0 : index
      %get3A_115 = vector.load %arg16[%get3A_113, %get3A_114] : memref<1x2xf32, #tpu.memory_space<vmem>>, vector<1x2xf32>
      %add3A_116 = vector.broadcast %get3A_115 : vector<1x2xf32> to vector<64x2xf32>
      %add3A_117 = arith.addf %dot_general3A_112, %add3A_116 : vector<64x2xf32>
      %swap3A = arith.constant 0 : index
      %swap3A_118 = arith.constant 0 : index
      %swap3A_119 = vector.load %arg17[%swap3A, %swap3A_118] : memref<64x2xf32, #tpu.memory_space<vmem>>, vector<64x2xf32>
      tpu.vector_store %arg17[%swap3A, %swap3A_118], %add3A_117 {strides = array<i32>} : memref<64x2xf32, #tpu.memory_space<vmem>>, vector<64x2xf32>,
    } else {
    }
    return
  }
  func.func @transform_0(%arg0: i32) -> (i32, i32) {
    %c0_i32 = arith.constant 0 : i32
    %c0_i32_0 = arith.constant 0 : i32
    return %arg0, %c0_i32 : i32, i32
  }
  func.func @transform_1(%arg0: i32) -> (i32, i32) {
    %c0_i32 = arith.constant 0 : i32
    %c0_i32_0 = arith.constant 0 : i32
    return %arg0, %c0_i32 : i32, i32
  }
  func.func @transform_2(%arg0: i32) -> (i32, i32) {
    %c0_i32 = arith.constant 0 : i32
    %c0_i32_0 = arith.constant 0 : i32
    return %arg0, %c0_i32 : i32, i32
  }
  func.func @transform_3(%arg0: i32) -> (i32, i32) {
    %c0_i32 = arith.constant 0 : i32
    %c0_i32_0 = arith.constant 0 : i32
    return %arg0, %c0_i32 : i32, i32
  }
  func.func @transform_4(%arg0: i32) -> (i32, i32) {
    %c0_i32 = arith.constant 0 : i32
    %c0_i32_0 = arith.constant 0 : i32
    return %arg0, %c0_i32 : i32, i32
  }
  func.func @transform_5(%arg0: i32) -> (i32, i32) {
    %c0_i32 = arith.constant 0 : i32
    %c0_i32_0 = arith.constant 0 : i32
    %c0_i32_1 = arith.constant 0 : i32
    return %c0_i32, %c0_i32_0 : i32, i32
  }
  func.func @transform_6(%arg0: i32) -> (i32, i32) {
    %c0_i32 = arith.constant 0 : i32
    %c0_i32_0 = arith.constant 0 : i32
    %c0_i32_1 = arith.constant 0 : i32
    return %c0_i32, %c0_i32_0 : i32, i32
  }
  func.func @transform_7(%arg0: i32) -> (i32, i32) {
    %c0_i32 = arith.constant 0 : i32
    %c0_i32_0 = arith.constant 0 : i32
    %c0_i32_1 = arith.constant 0 : i32
    return %c0_i32, %c0_i32_0 : i32, i32
  }
  func.func @transform_8(%arg0: i32) -> (i32, i32) {
    %c0_i32 = arith.constant 0 : i32
    %c0_i32_0 = arith.constant 0 : i32
    %c0_i32_1 = arith.constant 0 : i32
    return %c0_i32, %c0_i32_0 : i32, i32
  }
  func.func @transform_9(%arg0: i32) -> (i32, i32) {
    %c0_i32 = arith.constant 0 : i32
    %c0_i32_0 = arith.constant 0 : i32
    %c0_i32_1 = arith.constant 0 : i32
    return %c0_i32, %c0_i32_0 : i32, i32
  }
  func.func @transform_10(%arg0: i32) -> (i32, i32) {
    %c0_i32 = arith.constant 0 : i32
    %c0_i32_0 = arith.constant 0 : i32
    %c0_i32_1 = arith.constant 0 : i32
    return %c0_i32, %c0_i32_0 : i32, i32
  }
  func.func @transform_11(%arg0: i32) -> (i32, i32) {
    %c0_i32 = arith.constant 0 : i32
    %c0_i32_0 = arith.constant 0 : i32
    %c0_i32_1 = arith.constant 0 : i32
    return %c0_i32, %c0_i32_0 : i32, i32
  }
  func.func @transform_12(%arg0: i32) -> (i32, i32) {
    %c0_i32 = arith.constant 0 : i32
    %c0_i32_0 = arith.constant 0 : i32
    %c0_i32_1 = arith.constant 0 : i32
    return %c0_i32, %c0_i32_0 : i32, i32
  }
  func.func @transform_13(%arg0: i32) -> (i32, i32) {
    %c0_i32 = arith.constant 0 : i32
    %c0_i32_0 = arith.constant 0 : i32
    %c0_i32_1 = arith.constant 0 : i32
    return %c0_i32, %c0_i32_0 : i32, i32
  }
  func.func @transform_14(%arg0: i32) -> (i32, i32) {
    %c0_i32 = arith.constant 0 : i32
    %c0_i32_0 = arith.constant 0 : i32
    %c0_i32_1 = arith.constant 0 : i32
    return %c0_i32, %c0_i32_0 : i32, i32
  }
  func.func @transform_15(%arg0: i32) -> (i32, i32) {
    %c0_i32 = arith.constant 0 : i32
    %c0_i32_0 = arith.constant 0 : i32
    %c0_i32_1 = arith.constant 0 : i32
    return %c0_i32, %c0_i32_0 : i32, i32
  }
  func.func @transform_16(%arg0: i32) -> (i32, i32) {
    %c0_i32 = arith.constant 0 : i32
    %c0_i32_0 = arith.constant 0 : i32
    %c0_i32_1 = arith.constant 0 : i32
    return %c0_i32, %c0_i32_0 : i32, i32
  }
}

</mosaic_0001>

<sc_bundles>
// kernel: kernel.10.cloned.1.call-start
scs
__scs_entry_jumppad:
0x0: {  	(pc) =	sbr.rel $0x88, $3  }
0x1: {  	(tag) =	ssettag $0x0;
	lr =	simm.s32 $0x1  }
0x2: {  	[smem:$0x3F8C] =	sst lr;
	_ =	strace $0xD0000000  }
0x3: {  	_ = 	snop  }
0x4: {  	_ = 	snop  }
0x5: {  	_ = 	snop  }
0x6: {  	_ = 	snop  }
0x7: {  	_ = 	snop  }
__scs_overlays_trampoline_lowered:
0x8: {  	[smem:$0x3F9B] =	sst s0  }
0x9: {  	[smem:$0x3F9C] =	sst s1  }
0xa: {  	[smem:$0x3F9D] =	sst s2  }
0xb: {  	[smem:$0x3F9E] =	sst s3  }
0xc: {  	[smem:$0x3F9F] =	sst s4  }
0xd: {  	[smem:$0x3FA0] =	sst s5  }
0xe: {  	[smem:$0x3FA1] =	sst s6  }
0xf: {  	[smem:$0x3FA2] =	sst s7  }
0x10: {  	[smem:$0x3FA3] =	sst s8  }
0x11: {  	[smem:$0x3FA4] =	sst s9;
	s0 =	simm.s32 @!p0 $0x0  }
0x12: {  	s1 =	sld [smem:$0x3F8A];
	s0 =	simm.s32 @p0 $0x1  }
0x13: {  	[smem:$0x3FA5] =	sst s0;
	s0 =	simm.s32 @!p1 $0x0  }
0x14: {  	s2 =	sld [smem:$0x3F89];
	s0 =	simm.s32 @p1 $0x1  }
0x15: {  	[smem:$0x3FA6] =	sst s0;
	s0 =	simm.s32 @!p2 $0x0  }
0x16: {  	s3 =	sld [smem:$0x3FDB];
	s0 =	simm.s32 @p2 $0x1  }
0x17: {  	s4 =	simm.s32 $0x1BF5;
	[smem:$0x3FA8] =	sst s0  }
0x18: {  	s0 =	sld [smem:$0x3F8B];
	_ =	swait.ge [sflag:s4], $0x0  }
0x19: {  	s7 =	sld [smem:$0x3F8C]  }
0x1a: {  	s8 =	sadd.s32 $0xFFFFE003, lr  }
0x1b: {  	s9 =	sadd.s32 $0xFFFFFEF7, lr;
	s5 =	simm.s32 $0xFFFFFFFF;
	p2 =	slt.u32 s8, $0xFFFFF086  }
0x1c: {  	p1 =	slt.u32 s9, $0xF7A;
	s5 =	simm.s32 @!p2 $0x0  }
0x1d: {  	s5 =	simm.s32 @p1 $0x1;
	p0 =	seq.s32 s7, s2  }
0x1e: {  	s7 =	smul.u32 @!p0 $0xF7A, s2;
	p2 =	seq.s32 @!p0 s5, $0x0  }
0x1f: {  	s9 =	smul.u32 $0xF7A, s1;
	s8 =	simm.s32 @!p0 $0x1BF5;
	p2 =	por !p2, p0  }
0x20: {  	[sflag:s8] =	ssyncset.s32 @!p0 $0xFFFFF086;
	s6 =	sadd.s32 @!p0 s3, s7;
	s7 =	simm.s32 @!p0 $0x108  }
0x21: {  	s3 =	sadd.s32 s3, s9;
	s6 =	sadd.s32 @!p0 $0x88, s6;
	s7 =	simm.s32 @p2 $0x1082  }
0x22: {  	[simem:s7], [sflag:s8] =	dma.local @!p0 [hbm:s6], $0xF7A  }
0x23: {  	s9 =	sor.u32 $0xD0000000, s2;
	s6 =	simm.s32 $0x108;
	_ =	swait.ge @!p0 [sflag:s8], $0x0  }
0x24: {  	s3 =	sadd.s32 $0x88, s3;
	s6 =	simm.s32 @!p1 $0x1082;
	[sflag:s4] =	ssyncset.s32 $0xFFFFF086  }
0x25: {  	[simem:s6], [sflag:s4] =	dma.local [hbm:s3], $0xF7A  }
0x26: {  	[smem:$0x3F8C] =	sst s1;
	(tag) =	ssettag s2;
	_ =	strace s9  }
0x27: {  	s1 =	sld [smem:$0x3F9C]  }
0x28: {  	s2 =	sld [smem:$0x3F9D]  }
0x29: {  	s4 =	sld [smem:$0x3F9F]  }
0x2a: {  	p0 =	seq.s32 s5, $0x0;
	s5 =	sld [smem:$0x3FA0]  }
0x2b: {  	s6 =	sld [smem:$0x3FA1]  }
0x2c: {  	s7 =	sld [smem:$0x3FA2]  }
0x2d: {  	s3 =	simm.s32 $0x108;
	s8 =	sld [smem:$0x3FA3]  }
0x2e: {  	s3 =	simm.s32 @!p0 $0x1082;
	s9 =	sld [smem:$0x3FA4]  }
0x2f: {  	lr =	sadd.s32 s0, s3;
	s0 =	sld [smem:$0x3F9B]  }
0x30: {  	s3 =	sld [smem:$0x3F9E]  }
0x31: {  	[smem:$0x3FA7] =	sst s10  }
0x32: {  	s10 =	sld [smem:$0x3FA5];
	_ =	sdelay $0x3  }
0x33: {  	p0 =	seq.s32 s10, $0x1;
	s10 =	sld [smem:$0x3FA7];
	_ =	sdelay $0x3  }
0x34: {  	[smem:$0x3FA7] =	sst s10  }
0x35: {  	s10 =	sld [smem:$0x3FA6];
	_ =	sdelay $0x3  }
0x36: {  	p1 =	seq.s32 s10, $0x1;
	s10 =	sld [smem:$0x3FA7];
	_ =	sdelay $0x3  }
0x37: {  	[smem:$0x3FA7] =	sst s10  }
0x38: {  	s10 =	sld [smem:$0x3FA8]  }
0x39: {  	_ = 	snop;
	(pc) =	sbr.ind lr, $3  }
0x3a: {  	_ = 	snop  }
0x3b: {  	_ = 	snop  }
0x3c: {  	p2 =	seq.s32 s10, $0x1;
	s10 =	sld [smem:$0x3FA7]  }
0x3d: {  	_ =	shalt  }
0x3e: {  	_ =	shalt  }
0x3f: {  	_ =	shalt  }
0x40: {  	_ =	shalt  }
0x41: {  	_ =	shalt  }
0x42: {  	_ =	shalt  }
0x43: {  	_ =	shalt  }
0x44: {  	_ =	shalt  }
0x45: {  	_ =	shalt  }
0x46: {  	_ =	shalt  }
0x47: {  	_ =	shalt  }
0x48: {  	_ =	shalt  }
0x49: {  	_ =	shalt  }
0x4a: {  	_ =	shalt  }
0x4b: {  	_ =	shalt  }
0x4c: {  	_ =	shalt  }
0x4d: {  	_ =	shalt  }
0x4e: {  	_ =	shalt  }
0x4f: {  	_ =	shalt  }
0x50: {  	_ =	shalt  }
0x51: {  	_ =	shalt  }
0x52: {  	_ =	shalt  }
0x53: {  	_ =	shalt  }
0x54: {  	_ =	shalt  }
0x55: {  	_ =	shalt  }
0x56: {  	_ =	shalt  }
0x57: {  	_ =	shalt  }
0x58: {  	_ =	shalt  }
0x59: {  	_ =	shalt  }
0x5a: {  	_ =	shalt  }
0x5b: {  	_ =	shalt  }
0x5c: {  	_ =	shalt  }
0x5d: {  	_ =	shalt  }
0x5e: {  	_ =	shalt  }
0x5f: {  	_ =	shalt  }
0x60: {  	_ =	shalt  }
0x61: {  	_ =	shalt  }
0x62: {  	_ =	shalt  }
0x63: {  	_ =	shalt  }
0x64: {  	_ =	shalt  }
0x65: {  	_ =	shalt  }
0x66: {  	_ =	shalt  }
0x67: {  	_ =	shalt  }
0x68: {  	_ =	shalt  }
0x69: {  	_ =	shalt  }
0x6a: {  	_ =	shalt  }
0x6b: {  	_ =	shalt  }
0x6c: {  	_ =	shalt  }
0x6d: {  	_ =	shalt  }
0x6e: {  	_ =	shalt  }
0x6f: {  	_ =	shalt  }
0x70: {  	_ =	shalt  }
0x71: {  	_ =	shalt  }
0x72: {  	_ =	shalt  }
0x73: {  	_ =	shalt  }
0x74: {  	_ =	shalt  }
0x75: {  	_ =	shalt  }
0x76: {  	_ =	shalt  }
0x77: {  	_ =	shalt  }
0x78: {  	_ =	shalt  }
0x79: {  	_ =	shalt  }
0x7a: {  	_ =	shalt  }
0x7b: {  	_ =	shalt  }
0x7c: {  	_ =	shalt  }
0x7d: {  	_ =	shalt  }
0x7e: {  	_ =	shalt  }
0x7f: {  	_ =	shalt  }
0x80: {  	_ =	shalt  }
0x81: {  	_ =	shalt  }
0x82: {  	_ =	shalt  }
0x83: {  	_ =	shalt  }
0x84: {  	_ =	shalt  }
0x85: {  	_ =	shalt  }
0x86: {  	_ =	shalt  }
0x87: {  	_ =	shalt  }
.Lfunc_end0:
.L_simem_size_0:
called_computation.1_lowered:
.L_overlay_start_0:
0x88: {  	s2 =	sld [smem:$0x3FD9]  }
0x89: {  	s3 =	sld [smem:$0x3FFE];
	_ =	sdelay $0x1  }
0x8a: {  	s1 =	srdreg.scid  }
0x8b: {  	s0 =	sand.u32 $0x1, s1  }
0x8c: {  	s16 =	sshll.u32 s0, $0xA;
	s2 =	sadd.s32 s3, s2  }
0x8d: {  	s2 =	sadd.s32 s2, s16  }
0x8e: {  	[smem:$0x3FB3] =	sst s2  }
0x8f: {  	_ = 	snop  }
0x90: {  	(tm) =	ssettm $0x1  }
0x91: {  	s17 =	sld [smem:$0x3FFB];
	_ =	sdelay $0x3  }
0x92: {  	_ =	strace s17  }
0x93: {  	s2 =	sld [smem:$0x3FFC];
	_ =	sdelay $0x3  }
0x94: {  	_ =	strace s2  }
0x95: {  	s2 =	sld [smem:$0x3FFD];
	_ =	sdelay $0x3  }
0x96: {  	_ =	strace s2  }
0x97: {  	_ =	strace $0x8FFFFFFF  }
0x98: {  	s18 =	sld [smem:$0x3FDB];
	_ =	sdelay $0x1  }
0x99: {  	s19 =	simm.s32 $_scs_section_size  }
0x9a: {  	s4 =	simm.s32 $_size__tile_overlayer_lowered;
	s5 =	simm.s32 $_tile_overlayer_lowered  }
0x9b: {  	s22 =	simm.s32 $0x1BFF;
	s21 =	sshll.u32 s5, $0x1;
	s2 =	sadd.s32 s19, s18  }
0x9c: {  	s6 =	simm.s32 $0x0;
	s20 =	sshll.u32 s4, $0x1;
	s4 =	sadd.s32 s21, s2  }
0x9d: {  	[timem:s6], [sflag:s22] =	dma.local [hbm:s4], s20  }
0x9e: {  	_ =	swait.ge [sflag:s22], s20  }
0x9f: {  	s3 =	ssub.s32 $0x0, s20;
	[sflag:s22] =	ssyncset.done $0x0  }
0xa0: {  	[sflag:s22] =	ssyncadd.s32 s3;
	_ =	sdelay $0x1  }
0xa1: {  	s23 =	simm.s32 $0x1B8B  }
0xa2: {  	_ =	swait.ge [sflag:s23], $0x1  }
0xa3: {  	[sflag:s23] =	ssyncset.done $0x0  }
0xa4: {  	s25 =	simm.s32 $0x1B8E;
	s24 =	sld [smem:$0x3FFE];
	[sflag:s23] =	ssyncadd.s32 $0xFFFFFFFF  }
0xa5: {  	s26 =	simm.s32 $execute0_lowered;
	[smem:$0x3FD2] =	sst s25  }
0xa6: {  	s4 =	sshll.u32 s26, $0x1;
	_ =	strace $0x80000049;
	[dreg:$0x1] =	wrdreg $0xFFFFFFFF  }
0xa7: {  	s28 =	simm.s32 $_size_execute0_lowered;
	s2 =	sadd.s32 s2, s4;
	[dreg:$0x0] =	wrdreg $0x0  }
0xa8: {  	s4 =	sshll.u32 s28, $0x1;
	[dreg:$0x2] =	wrdreg s2  }
0xa9: {  	[dreg:$0x3] =	wrdreg s4  }
0xaa: {  	[dreg:$0x4] =	wrdreg $0xC0  }
0xab: {  	_ =	task [dreg:s6], $0x5FFFF  }
0xac: {  	[dreg:$0x1] =	wrdreg $0xFFFFFFFF  }
0xad: {  	[dreg:$0x0] =	wrdreg $0x60  }
0xae: {  	[dreg:$0x2] =	wrdreg s24  }
0xaf: {  	[dreg:$0x3] =	wrdreg $0x9  }
0xb0: {  	_ =	task.clear_ibuf [dreg:s6], $0x4FFFF;
	_ =	strace $0x90000049  }
0xb1: {  	s29 =	simm.s32 $0x9;
	_ =	strace $0x8000004B  }
0xb2: {  	_ =	swait.ge [sflag:s29], $0x1  }
0xb3: {  	[sflag:s29] =	ssyncadd.s32 $0xFFFFFFFF  }
0xb4: {  	_ =	strace $0x9000004B  }
0xb5: {  	_ =	sfence  }
0xb6: {  	s30 =	sld [smem:$0x0];
	_ =	sdelay $0x2  }
0xb7: {  	s31 =	sshll.u32 s1, $0xD;
	s1 =	sshrl.u32 s1, $0x2  }
0xb8: {  	s3 =	sand.u32 $0x4000, s31;
	s1 =	sadd.s32 s1, s30  }
0xb9: {  	s0 =	sor.u32 s3, s0;
	s1 =	sshll.u32 s1, $0x11  }
0xba: {  	s0 =	sor.u32 s1, s0  }
0xbb: {  	s0 =	sadd.s32 $0x8F2B, s0  }
0xbc: {  	[sflag:s0] =	ssyncadd.remote.s32 $0x1  }
0xbd: {  	_ =	sfence.sel $0xFFFF  }
0xbe: {  	[dreg:$0x0] =	wrdreg $0xFFFFFFFF;
	(pc) =	sbr.abs _section_cstart, $3  }
0xbf: {  	[dreg:$0x1] =	wrdreg $0xFFFFFFFF  }
0xc0: {  	_ =	task.clear_ibuf [dreg:s6], $0x2FFFF;
	_ =	strace $0x9FFFFFFF  }
0xc1: {  	(tm) =	ssettm $0x7FFFFFFF  }
tec
execute0_lowered:
.L_overlay_start_1:
0x0: {  	(tag) =	ssettag $0x1  }
0x1: {  	s1 =	srdreg.scid  }
0x2: {  	s0 =	stileid.u32;
	s6 =	rddreg [dreg:$0x0];
	s2 =	simm.s32 $0x0  }
0x3: {  	s13 =	simm.s32 $0x5400;
	s14 =	simm.s32 $0x5800;
	s15 =	simm.s32 $0x50  }
0x4: {  	s16 =	simm.s32 $0x6980;
	s17 =	simm.s32 $0x6A00;
	s19 =	simm.s32 $0x6200  }
0x5: {  	s5 =	sand.u32 $0x1, s1;
	s3 =	sshll.u32 s0, $0x1;
	s1 =	rddreg [dreg:$0x1]  }
0x6: {  	s20 =	simm.s32 $0x0;
	[smem:$0x7FF] =	sst s2;
	s7 =	sor.u32 s5, s3  }
0x7: {  	s4 =	sadd.s32 $0xD800, s6;
	_ =	strace $0x8000004A;
	s8 =	smul.u32 $0x78, s7  }
0x8: {  	s3 =	sadd.s32 $0x7E00, s6;
	s9 =	ssub.s32 $0x2, s5;
	s18 =	smul.u32 $0x140, s7  }
0x9: {  	s5 =	sadd.s32 $0x8800, s6;
	s7 =	smul.u32 $0xF0, s7;
	s10 =	sshrl.u32 s9, $0x1  }
0xa: {  	s10 =	ssub.s32 s9, s10;
	s8 =	sadd.s32 s8, s6;
	s11 =	sadd.s32 s18, s6  }
0xb: {  	s12 =	sadd.s32 s7, s6;
	s10 =	smax.u32 s10, $0x1;
	v0 =	vmov s18;
	s18 =	simm.s32 $0x1  }
0xc: {  	s6 =	sadd.s32 $0x5E00, s8;
	s7 =	sadd.s32 $0x6E00, s8;
	s8 =	sadd.s32 $0x12800, s11  }
0xd: {  	v1 =	vlaneseq.u32;
	v2 =	vimm.s32 $0x0;
	s9 =	sadd.s32 $0x15000, s12;
	s11 =	simm.s32 $0x2;
	s12 =	simm.s32 $0x5000  }
.LBB2_1:
0xe: {  	[tilespmem:s2], [sflag:$0x2] =	stream.linear.gather [hbm4b:s3+s2], $0x5000, $0x38;
	[tilespmem:$0x6A80] =	vst v63  }
0xf: {  	_ =	swait.ge [sflag:s11], $0x5000  }
0x10: {  	[sflag:s11] =	ssyncset.done $0x0  }
0x11: {  	[sflag:s11] =	ssyncadd.s32 $0xFFFFB000  }
0x12: {  	[tilespmem:s12], [sflag:$0x2] =	stream.linear.gather [hbm4b:s6+s2], $0x3C0, $0x38;
	[tilespmem:$0x6A80] =	vst v63  }
0x13: {  	_ =	swait.ge [sflag:s11], $0x3C0  }
0x14: {  	[sflag:s11] =	ssyncset.done $0x0  }
0x15: {  	[sflag:s11] =	ssyncadd.s32 $0xFFFFFC40  }
0x16: {  	[tilespmem:s13], [sflag:$0x2] =	stream.linear.gather [hbm4b:s7+s2], $0x3C0, $0x38;
	[tilespmem:$0x6A80] =	vst v63  }
0x17: {  	_ =	swait.ge [sflag:s11], $0x3C0  }
0x18: {  	[sflag:s11] =	ssyncset.done $0x0  }
0x19: {  	s21 =	simm.s32 $0x0;
	[sflag:s11] =	ssyncadd.s32 $0xFFFFFC40  }
.LBB2_2:
0x1a: {  	v3 =	vor.u32 s21, v1  }
0x1b: {  	v4 =	vadd.s32 v0, v3  }
0x1c: {  	v4 =	vshll.u32 v4, $0x1;
	_ =	sdelay $0x4  }
0x1d: {  	v6 =	vshll.u32 v3, $0x3;
	v5 =	vld.idx.msk [tilespmem:v4+s2+$0x0], $0xffff  }
0x1e: {  	v4 =	vor.u32 $0x1, v4;
	_ =	sdelay $0x3  }
0x1f: {  	[tilespmem:v6+s14+$0x0] =	vst.idx.msk $0xffff, v5  }
0x20: {  	v3 =	vmul.u32 $0x3, v3;
	v57 =	vor.u32 $0x1, v6;
	v4 =	vld.idx.msk [tilespmem:v4+s2+$0x0], $0xffff;
	_ =	sdelay $0x4  }
0x21: {  	[tilespmem:v57+s14+$0x0] =	vst.idx.msk $0xffff, v4  }
0x22: {  	v4 =	vld.idx.msk [tilespmem:v3+s12+$0x0], $0xffff;
	_ =	sdelay $0x4  }
0x23: {  	v4 =	vshll.u32 v4, $0x1;
	_ =	sdelay $0x4  }
0x24: {  	v7 =	vor.u32 $0x2, v6;
	v5 =	vld.idx.msk [tilespmem:v4+s2+$0x0], $0xffff  }
0x25: {  	v4 =	vor.u32 $0x1, v4;
	_ =	sdelay $0x3  }
0x26: {  	[tilespmem:v7+s14+$0x0] =	vst.idx.msk $0xffff, v5  }
0x27: {  	v58 =	vor.u32 $0x3, v6;
	v4 =	vld.idx.msk [tilespmem:v4+s2+$0x0], $0xffff  }
0x28: {  	v59 =	vadd.s32 $0x1, v3;
	_ =	sdelay $0x3  }
0x29: {  	[tilespmem:v58+s14+$0x0] =	vst.idx.msk $0xffff, v4  }
0x2a: {  	v4 =	vld.idx.msk [tilespmem:v59+s12+$0x0], $0xffff;
	_ =	sdelay $0x4  }
0x2b: {  	v4 =	vshll.u32 v4, $0x1;
	_ =	sdelay $0x4  }
0x2c: {  	v60 =	vor.u32 $0x4, v6;
	v5 =	vld.idx.msk [tilespmem:v4+s2+$0x0], $0xffff  }
0x2d: {  	v4 =	vor.u32 $0x1, v4;
	_ =	sdelay $0x3  }
0x2e: {  	[tilespmem:v60+s14+$0x0] =	vst.idx.msk $0xffff, v5  }
0x2f: {  	v61 =	vor.u32 $0x5, v6;
	v4 =	vld.idx.msk [tilespmem:v4+s2+$0x0], $0xffff  }
0x30: {  	v3 =	vadd.s32 $0x2, v3;
	_ =	sdelay $0x3  }
0x31: {  	[tilespmem:v61+s14+$0x0] =	vst.idx.msk $0xffff, v4  }
0x32: {  	v3 =	vld.idx.msk [tilespmem:v3+s12+$0x0], $0xffff;
	_ =	sdelay $0x4  }
0x33: {  	v3 =	vshll.u32 v3, $0x1;
	_ =	sdelay $0x4  }
0x34: {  	v62 =	vor.u32 $0x6, v6;
	v4 =	vld.idx.msk [tilespmem:v3+s2+$0x0], $0xffff  }
0x35: {  	v3 =	vor.u32 $0x1, v3;
	_ =	sdelay $0x3  }
0x36: {  	[tilespmem:v62+s14+$0x0] =	vst.idx.msk $0xffff, v4  }
0x37: {  	p0 =	sne.s32 s21, $0x130;
	v63 =	vor.u32 $0x7, v6;
	v3 =	vld.idx.msk [tilespmem:v3+s2+$0x0], $0xffff  }
.Ltmp0:
0x38: {  	_ = 	snop;
	(pc) =	sbr.rel @p0 .LBB2_2-.Ltmp0, $2  }
0x39: {  	_ =	sdelay $0x2  }
0x3a: {  	s21 =	sadd.s32 $0x10, s21;
	[tilespmem:v63+s14+$0x0] =	vst.idx.msk $0xffff, v3  }
0x3b: {  	s22 =	simm.s32 $0x0  }
0x3c: {  	v3 =	vor.u32 s22, v1  }
0x3d: {  	v4 =	vmulhi.u32 $0xAAAAAAAB, v3;
	_ =	sdelay $0x1  }
0x3e: {  	v4 =	vshrl.u32 v4, $0x1  }
0x3f: {  	s21 =	simm.s32 $0x5400;
	v5 =	vmul.u32 $0xFFFFFFFD, v4  }
0x40: {  	v6 =	vmov s22;
	[tilespmem:s16], [sflag:$0x1] =	stream.indirect.gather [hbm4b:s4+s15], $0x1, s21, s15, $0xb8;
	v7 =	vsub.s32 $0x0, v3;
	[tilespmem:$0x6A80] =	vst v63  }
0x41: {  	vm0 =	veq.s32 v6, v1;
	vm1 =	vne.s32 v5, v7  }
0x42: {  	[tilespmem:s17], [sflag:$0x1] =	stream.indirect.gather [hbm4b:s5+s15], $0x1, s21, s15, $0xb8;
	vm0 =	vmand vm0, vm1;
	[tilespmem:$0x6A80] =	vst v63  }
0x43: {  	_ =	swait.ge [sflag:s18], $0x50;
	v5 =	vsel vm0, $0xFFFFFFFF, v2  }
0x44: {  	[sflag:s18] =	ssyncset.done $0x0;
	v4 =	vadd.s32 v5, v4  }
0x45: {  	[sflag:s18] =	ssyncadd.s32 $0xFFFFFFB0;
	v5 =	vmul.u32 $0x7FFFFFFD, v4  }
0x46: {  	_ =	swait.ge [sflag:s18], $0x50  }
0x47: {  	s28 =	simm.s32 $0x10;
	[sflag:s18] =	ssyncset.done $0x0;
	v4 =	vmul.u32 $0x6, v4;
	v3 =	vadd.s32 v3, v5  }
0x48: {  	[sflag:s18] =	ssyncadd.s32 $0xFFFFFFB0;
	v5 =	vor.u32 s28, v1;
	v3 =	vshll.u32 v3, $0x1  }
0x49: {  	v6 =	vld [tilespmem:$0x6980];
	v3 =	vadd.s32 v4, v3;
	v4 =	vmulhi.u32 $0xAAAAAAAB, v5  }
0x4a: {  	v7 =	vld [tilespmem:$0x6A00];
	v8 =	vor.u32 $0x1, v3  }
0x4b: {  	v4 =	vshrl.u32 v4, $0x1  }
0x4c: {  	v9 =	vmul.u32 $0x7FFFFFFD, v4;
	_ =	sdelay $0x1  }
0x4d: {  	s29 =	simm.s32 $0x20;
	v4 =	vmul.u32 $0x6, v4;
	[tilespmem:v3+s19+$0x0] =	vst.idx.msk $0xffff, v6;
	v3 =	vadd.s32 v5, v9  }
0x4e: {  	v5 =	vor.u32 s29, v1;
	[tilespmem:v8+s19+$0x0] =	vst.idx.msk $0xffff, v7;
	v3 =	vshll.u32 v3, $0x1  }
0x4f: {  	v6 =	vld [tilespmem:$0x6990];
	v3 =	vadd.s32 v4, v3;
	v4 =	vmulhi.u32 $0xAAAAAAAB, v5  }
0x50: {  	v7 =	vld [tilespmem:$0x6A10];
	v8 =	vor.u32 $0x1, v3  }
0x51: {  	v4 =	vshrl.u32 v4, $0x1  }
0x52: {  	v60 =	vmul.u32 $0x7FFFFFFD, v4;
	_ =	sdelay $0x1  }
0x53: {  	s30 =	simm.s32 $0x30;
	v4 =	vmul.u32 $0x6, v4;
	[tilespmem:v3+s19+$0x0] =	vst.idx.msk $0xffff, v6;
	v3 =	vadd.s32 v5, v60  }
0x54: {  	v5 =	vor.u32 s30, v1;
	[tilespmem:v8+s19+$0x0] =	vst.idx.msk $0xffff, v7;
	v3 =	vshll.u32 v3, $0x1  }
0x55: {  	v6 =	vld [tilespmem:$0x69A0];
	v3 =	vadd.s32 v4, v3;
	v4 =	vmulhi.u32 $0xAAAAAAAB, v5  }
0x56: {  	v7 =	vld [tilespmem:$0x6A20];
	v8 =	vor.u32 $0x1, v3  }
0x57: {  	v4 =	vshrl.u32 v4, $0x1  }
0x58: {  	v61 =	vmul.u32 $0x7FFFFFFD, v4;
	_ =	sdelay $0x1  }
0x59: {  	s31 =	simm.s32 $0x40;
	v4 =	vmul.u32 $0x6, v4;
	[tilespmem:v3+s19+$0x0] =	vst.idx.msk $0xffff, v6;
	v3 =	vadd.s32 v5, v61  }
0x5a: {  	v5 =	vor.u32 s31, v1;
	[tilespmem:v8+s19+$0x0] =	vst.idx.msk $0xffff, v7;
	v3 =	vshll.u32 v3, $0x1  }
0x5b: {  	v6 =	vld [tilespmem:$0x69B0];
	v3 =	vadd.s32 v4, v3;
	v4 =	vmulhi.u32 $0xAAAAAAAB, v5  }
0x5c: {  	v7 =	vld [tilespmem:$0x6A30];
	v8 =	vor.u32 $0x1, v3  }
0x5d: {  	v4 =	vshrl.u32 v4, $0x1  }
0x5e: {  	v62 =	vmul.u32 $0x7FFFFFFD, v4;
	_ =	sdelay $0x1  }
0x5f: {  	v4 =	vmul.u32 $0x6, v4;
	[tilespmem:v3+s19+$0x0] =	vst.idx.msk $0xffff, v6;
	v3 =	vadd.s32 v5, v62  }
0x60: {  	[tilespmem:v8+s19+$0x0] =	vst.idx.msk $0xffff, v7;
	v3 =	vshll.u32 v3, $0x1  }
0x61: {  	v8 =	vld [tilespmem:$0x69C0];
	v63 =	vadd.s32 v4, v3  }
0x62: {  	s24 =	simm.s32 $0x50  }
0x63: {  	v3 =	vor.u32 s24, v1;
	v6 =	vld [tilespmem:$0x6A40];
	v7 =	vor.u32 $0x1, v63  }
0x64: {  	v4 =	vmulhi.u32 $0xAAAAAAAB, v3;
	_ =	sdelay $0x1  }
0x65: {  	s23 =	simm.s32 $0xE0;
	s22 =	simm.s32 $0x90;
	v5 =	vmov s24;
	v4 =	vshrl.u32 v4, $0x1;
	[tilespmem:v63+s19+$0x0] =	vst.idx.msk $0xffff, v8  }
.LBB2_4:
0x66: {  	p0 =	sne.s32 s23, $0x3B0  }
0x67: {  	v8 =	vmul.u32 $0xFFFFFFFD, v4;
	[tilespmem:v7+s19+$0x0] =	vst.idx.msk $0xffff, v6;
	s21 =	sadd.s32 $0x50, s21;
	s24 =	smov.u32 s23;
	s23 =	sadd.s32 $0x50, s23  }
0x68: {  	v6 =	vsub.s32 $0x0, v3;
	[tilespmem:s16], [sflag:$0x1] =	stream.indirect.gather [hbm4b:s4+s15], $0x1, s21, s15, $0xb8;
	[tilespmem:$0x6A80] =	vst v63  }
0x69: {  	vm0 =	veq.s32 v5, v1;
	vm1 =	vne.s32 v8, v6  }
0x6a: {  	[tilespmem:s17], [sflag:$0x1] =	stream.indirect.gather [hbm4b:s5+s15], $0x1, s21, s15, $0xb8;
	vm0 =	vmand vm0, vm1;
	[tilespmem:$0x6A80] =	vst v63  }
0x6b: {  	_ =	swait.ge [sflag:s18], $0x50;
	v5 =	vsel vm0, $0xFFFFFFFF, v2  }
0x6c: {  	[sflag:s18] =	ssyncset.done $0x0;
	v4 =	vadd.s32 v5, v4  }
0x6d: {  	[sflag:s18] =	ssyncadd.s32 $0xFFFFFFB0;
	v5 =	vmul.u32 $0x7FFFFFFD, v4  }
0x6e: {  	_ =	swait.ge [sflag:s18], $0x50  }
0x6f: {  	s25 =	sadd.s32 $0xFFFFFFD0, s22;
	v4 =	vmul.u32 $0x6, v4;
	[sflag:s18] =	ssyncset.done $0x0;
	v3 =	vadd.s32 v3, v5  }
0x70: {  	v5 =	vor.u32 s25, v1;
	[sflag:s18] =	ssyncadd.s32 $0xFFFFFFB0;
	v3 =	vshll.u32 v3, $0x1  }
0x71: {  	v6 =	vld [tilespmem:$0x6980];
	v3 =	vadd.s32 v4, v3;
	v4 =	vmulhi.u32 $0xAAAAAAAB, v5  }
0x72: {  	v7 =	vld [tilespmem:$0x6A00];
	v8 =	vor.u32 $0x1, v3  }
0x73: {  	v4 =	vshrl.u32 v4, $0x1  }
0x74: {  	v9 =	vmul.u32 $0x7FFFFFFD, v4;
	_ =	sdelay $0x1  }
0x75: {  	s25 =	sadd.s32 $0xFFFFFFE0, s22;
	v4 =	vmul.u32 $0x6, v4;
	[tilespmem:v3+s19+$0x0] =	vst.idx.msk $0xffff, v6;
	v3 =	vadd.s32 v5, v9  }
0x76: {  	v5 =	vor.u32 s25, v1;
	[tilespmem:v8+s19+$0x0] =	vst.idx.msk $0xffff, v7;
	v3 =	vshll.u32 v3, $0x1  }
0x77: {  	v6 =	vld [tilespmem:$0x6990];
	v3 =	vadd.s32 v4, v3;
	v4 =	vmulhi.u32 $0xAAAAAAAB, v5  }
0x78: {  	v7 =	vld [tilespmem:$0x6A10];
	v8 =	vor.u32 $0x1, v3  }
0x79: {  	v4 =	vshrl.u32 v4, $0x1  }
0x7a: {  	v9 =	vmul.u32 $0x7FFFFFFD, v4;
	_ =	sdelay $0x1  }
0x7b: {  	s25 =	sadd.s32 $0xFFFFFFF0, s22;
	v4 =	vmul.u32 $0x6, v4;
	[tilespmem:v3+s19+$0x0] =	vst.idx.msk $0xffff, v6;
	v3 =	vadd.s32 v5, v9  }
0x7c: {  	v5 =	vor.u32 s25, v1;
	[tilespmem:v8+s19+$0x0] =	vst.idx.msk $0xffff, v7;
	v3 =	vshll.u32 v3, $0x1  }
0x7d: {  	v6 =	vld [tilespmem:$0x69A0];
	v3 =	vadd.s32 v4, v3;
	v4 =	vmulhi.u32 $0xAAAAAAAB, v5  }
0x7e: {  	v7 =	vld [tilespmem:$0x6A20];
	v8 =	vor.u32 $0x1, v3  }
0x7f: {  	v4 =	vshrl.u32 v4, $0x1  }
0x80: {  	v9 =	vmul.u32 $0x7FFFFFFD, v4;
	_ =	sdelay $0x1  }
0x81: {  	v4 =	vmul.u32 $0x6, v4;
	[tilespmem:v3+s19+$0x0] =	vst.idx.msk $0xffff, v6;
	v3 =	vadd.s32 v5, v9  }
0x82: {  	v5 =	vor.u32 s22, v1;
	s22 =	smov.u32 s24;
	[tilespmem:v8+s19+$0x0] =	vst.idx.msk $0xffff, v7;
	v3 =	vshll.u32 v3, $0x1  }
0x83: {  	v6 =	vld [tilespmem:$0x69B0];
	v3 =	vadd.s32 v4, v3;
	v4 =	vmulhi.u32 $0xAAAAAAAB, v5  }
0x84: {  	v7 =	vld [tilespmem:$0x6A30];
	v8 =	vor.u32 $0x1, v3  }
0x85: {  	v4 =	vshrl.u32 v4, $0x1  }
0x86: {  	v9 =	vmul.u32 $0x7FFFFFFD, v4;
	_ =	sdelay $0x1  }
0x87: {  	v4 =	vmul.u32 $0x6, v4;
	[tilespmem:v3+s19+$0x0] =	vst.idx.msk $0xffff, v6;
	v3 =	vadd.s32 v5, v9  }
0x88: {  	[tilespmem:v8+s19+$0x0] =	vst.idx.msk $0xffff, v7;
	v3 =	vshll.u32 v3, $0x1  }
0x89: {  	v8 =	vld [tilespmem:$0x69C0];
	v9 =	vadd.s32 v4, v3  }
.Ltmp1:
0x8a: {  	s24 =	sadd.s32 $0xFFFFFFC0, s22;
	v6 =	vld [tilespmem:$0x6A40];
	v7 =	vor.u32 $0x1, v9;
	(pc) =	sbr.rel @p0 .LBB2_4-.Ltmp1, $3  }
0x8b: {  	v5 =	vmov s24;
	v3 =	vor.u32 s24, v1  }
0x8c: {  	v4 =	vmulhi.u32 $0xAAAAAAAB, v3;
	_ =	sdelay $0x1  }
0x8d: {  	v4 =	vshrl.u32 v4, $0x1;
	[tilespmem:v9+s19+$0x0] =	vst.idx.msk $0xffff, v8  }
0x8e: {  	_ =	sdelay $0x3  }
0x8f: {  	v8 =	vmul.u32 $0xFFFFFFFD, v4;
	[tilespmem:v7+s19+$0x0] =	vst.idx.msk $0xffff, v6;
	s21 =	sadd.s32 $0x50, s21  }
0x90: {  	v41 =	vsub.s32 $0x0, v3;
	[tilespmem:s16], [sflag:$0x1] =	stream.indirect.gather [hbm4b:s4+s15], $0x1, s21, s15, $0xb8;
	[tilespmem:$0x6A80] =	vst v63  }
0x91: {  	vm0 =	veq.s32 v5, v1;
	vm1 =	vne.s32 v8, v41  }
0x92: {  	[tilespmem:s17], [sflag:$0x1] =	stream.indirect.gather [hbm4b:s5+s15], $0x1, s21, s15, $0xb8;
	vm0 =	vmand vm0, vm1;
	[tilespmem:$0x6A80] =	vst v63  }
0x93: {  	_ =	swait.ge [sflag:s18], $0x50;
	v42 =	vsel vm0, $0xFFFFFFFF, v2  }
0x94: {  	[sflag:s18] =	ssyncset.done $0x0;
	v43 =	vadd.s32 v42, v4  }
0x95: {  	[sflag:s18] =	ssyncadd.s32 $0xFFFFFFB0;
	v5 =	vmul.u32 $0x7FFFFFFD, v43  }
0x96: {  	_ =	swait.ge [sflag:s18], $0x50  }
0x97: {  	s29 =	sadd.s32 $0xFFFFFFD0, s22;
	v4 =	vmul.u32 $0x6, v43;
	[sflag:s18] =	ssyncset.done $0x0;
	v3 =	vadd.s32 v3, v5  }
0x98: {  	v44 =	vor.u32 s29, v1;
	[sflag:s18] =	ssyncadd.s32 $0xFFFFFFB0;
	v3 =	vshll.u32 v3, $0x1  }
0x99: {  	v46 =	vmulhi.u32 $0xAAAAAAAB, v44;
	v45 =	vld [tilespmem:$0x6980];
	v3 =	vadd.s32 v4, v3  }
0x9a: {  	v47 =	vld [tilespmem:$0x6A00];
	v48 =	vor.u32 $0x1, v3  }
0x9b: {  	v4 =	vshrl.u32 v46, $0x1  }
0x9c: {  	v9 =	vmul.u32 $0x7FFFFFFD, v4;
	_ =	sdelay $0x1  }
0x9d: {  	s30 =	sadd.s32 $0xFFFFFFE0, s22;
	v4 =	vmul.u32 $0x6, v4;
	[tilespmem:v3+s19+$0x0] =	vst.idx.msk $0xffff, v45;
	v3 =	vadd.s32 v44, v9  }
0x9e: {  	v49 =	vor.u32 s30, v1;
	[tilespmem:v48+s19+$0x0] =	vst.idx.msk $0xffff, v47;
	v3 =	vshll.u32 v3, $0x1  }
0x9f: {  	v50 =	vmulhi.u32 $0xAAAAAAAB, v49;
	v6 =	vld [tilespmem:$0x6990];
	v3 =	vadd.s32 v4, v3  }
0xa0: {  	v7 =	vld [tilespmem:$0x6A10];
	v51 =	vor.u32 $0x1, v3  }
0xa1: {  	v4 =	vshrl.u32 v50, $0x1  }
0xa2: {  	v52 =	vmul.u32 $0x7FFFFFFD, v4;
	_ =	sdelay $0x1  }
0xa3: {  	s31 =	sadd.s32 $0xFFFFFFF0, s22;
	v4 =	vmul.u32 $0x6, v4;
	[tilespmem:v3+s19+$0x0] =	vst.idx.msk $0xffff, v6;
	v3 =	vadd.s32 v49, v52  }
0xa4: {  	v53 =	vor.u32 s31, v1;
	[tilespmem:v51+s19+$0x0] =	vst.idx.msk $0xffff, v7;
	v3 =	vshll.u32 v3, $0x1  }
0xa5: {  	v54 =	vmulhi.u32 $0xAAAAAAAB, v53;
	v6 =	vld [tilespmem:$0x69A0];
	v3 =	vadd.s32 v4, v3  }
0xa6: {  	v7 =	vld [tilespmem:$0x6A20];
	v55 =	vor.u32 $0x1, v3  }
0xa7: {  	v4 =	vshrl.u32 v54, $0x1  }
0xa8: {  	v56 =	vmul.u32 $0x7FFFFFFD, v4;
	_ =	sdelay $0x1  }
0xa9: {  	v4 =	vmul.u32 $0x6, v4;
	[tilespmem:v3+s19+$0x0] =	vst.idx.msk $0xffff, v6;
	v3 =	vadd.s32 v53, v56  }
0xaa: {  	v57 =	vor.u32 s22, v1;
	[tilespmem:v55+s19+$0x0] =	vst.idx.msk $0xffff, v7;
	v3 =	vshll.u32 v3, $0x1  }
0xab: {  	v58 =	vmulhi.u32 $0xAAAAAAAB, v57;
	v6 =	vld [tilespmem:$0x69B0];
	v3 =	vadd.s32 v4, v3  }
0xac: {  	v7 =	vld [tilespmem:$0x6A30];
	v59 =	vor.u32 $0x1, v3  }
0xad: {  	v4 =	vshrl.u32 v58, $0x1  }
0xae: {  	v60 =	vmul.u32 $0x7FFFFFFD, v4;
	_ =	sdelay $0x1  }
0xaf: {  	v4 =	vmul.u32 $0x6, v4;
	[tilespmem:v3+s19+$0x0] =	vst.idx.msk $0xffff, v6;
	v3 =	vadd.s32 v57, v60  }
0xb0: {  	[tilespmem:v59+s19+$0x0] =	vst.idx.msk $0xffff, v7;
	v3 =	vshll.u32 v3, $0x1  }
0xb1: {  	v61 =	vld [tilespmem:$0x69C0];
	v3 =	vadd.s32 v4, v3  }
0xb2: {  	v62 =	vld [tilespmem:$0x6A40];
	v63 =	vor.u32 $0x1, v3;
	_ =	sdelay $0x3  }
0xb3: {  	[tilespmem:v3+s19+$0x0] =	vst.idx.msk $0xffff, v61  }
0xb4: {  	[tilespmem:v63+s19+$0x0] =	vst.idx.msk $0xffff, v62  }
0xb5: {  	[hbm4b:s8+s2] =	stream.linear.scatter [tilespmem:s14], [sflag:$0x2], $0xA00, $0x38;
	[tilespmem:$0x6A80] =	vst v63  }
0xb6: {  	s20 =	sadd.s32 $0x1, s20;
	_ =	swait.ge [sflag:s11], $0xA00  }
0xb7: {  	p0 =	sne.s32 s20, s10;
	[sflag:s11] =	ssyncset.done $0x0  }
.Ltmp2:
0xb8: {  	[sflag:s11] =	ssyncadd.s32 $0xFFFFF600;
	(pc) =	sbr.rel @p0 .LBB2_1-.Ltmp2, $4  }
0xb9: {  	[hbm4b:s9+s2] =	stream.linear.scatter [tilespmem:s19], [sflag:$0x2], $0x780, $0x38;
	[tilespmem:$0x6A80] =	vst v63  }
0xba: {  	_ =	swait.ge [sflag:s11], $0x780  }
0xbb: {  	[sflag:s11] =	ssyncset.done $0x0  }
0xbc: {  	[sflag:s11] =	ssyncadd.s32 $0xFFFFF880  }
0xbd: {  	_ =	sfence.sel $0x180000  }
0xbe: {  	[bflag:$0x0] =	sbarrier.arrive $0xFFFF  }
0xbf: {  	p0 =	sne.s32 s0, $0x0;
	_ =	strace $0x9000004A  }
0xc0: {  	s0 =	sadd.s32 @!p0 $0x100000, s1;
	[bflag:$0x2] =	sbarrier.arrive $0xFFFF  }
0xc1: {  	[sflag:s0] =	ssyncadd.tile.s32 @!p0 $0x1;
	_ =	shalt  }
.Lfunc_end2:
_tile_overlayer_lowered:
.L_overlay_start_2:
0xc2: {  	(tag) =	ssettag $0x2  }
0xc3: {  	s0 =	rddreg [dreg:$0x0];
	s2 =	stileid.u32  }
0xc4: {  	s1 =	rddreg [dreg:$0x1];
	p0 =	sne.s32 s2, $0x0  }
0xc5: {  	s3 =	rddreg [dreg:$0x2];
	[bflag:$0x3] =	sbarrier.arrive $0xFFFF;
	s2 =	simm.s32 @!p0 $0x1C02  }
0xc6: {  	[timem:s3], [sflag:s2] =	dma.local @!p0 [hbm:s0], s1  }
0xc7: {  	s0 =	simm.s32 @!p0 $0x2  }
0xc8: {  	_ =	swait.ge @!p0 [sflag:s0], s1  }
0xc9: {  	s1 =	ssub.s32 @!p0 $0x0, s1;
	[sflag:s0] =	ssyncset.done @!p0 $0x0  }
0xca: {  	[sflag:s0] =	ssyncadd.s32 @!p0 s1  }
0xcb: {  	[bflag:$0x3] =	sbarrier.arrive $0xFFFF  }
0xcc: {  	_ =	shalt  }

// kernel: kernel.7.cloned.1.call-start
scs
__scs_entry_jumppad:
0x0: {  	(pc) =	sbr.rel $0x88, $3  }
0x1: {  	(tag) =	ssettag $0x0;
	lr =	simm.s32 $0x1  }
0x2: {  	[smem:$0x3F8C] =	sst lr;
	_ =	strace $0xD0000000  }
0x3: {  	_ = 	snop  }
0x4: {  	_ = 	snop  }
0x5: {  	_ = 	snop  }
0x6: {  	_ = 	snop  }
0x7: {  	_ = 	snop  }
__scs_overlays_trampoline_lowered:
0x8: {  	[smem:$0x3F9B] =	sst s0  }
0x9: {  	[smem:$0x3F9C] =	sst s1  }
0xa: {  	[smem:$0x3F9D] =	sst s2  }
0xb: {  	[smem:$0x3F9E] =	sst s3  }
0xc: {  	[smem:$0x3F9F] =	sst s4  }
0xd: {  	[smem:$0x3FA0] =	sst s5  }
0xe: {  	[smem:$0x3FA1] =	sst s6  }
0xf: {  	[smem:$0x3FA2] =	sst s7  }
0x10: {  	[smem:$0x3FA3] =	sst s8  }
0x11: {  	[smem:$0x3FA4] =	sst s9;
	s0 =	simm.s32 @!p0 $0x0  }
0x12: {  	s1 =	sld [smem:$0x3F8A];
	s0 =	simm.s32 @p0 $0x1  }
0x13: {  	[smem:$0x3FA5] =	sst s0;
	s0 =	simm.s32 @!p1 $0x0  }
0x14: {  	s2 =	sld [smem:$0x3F89];
	s0 =	simm.s32 @p1 $0x1  }
0x15: {  	[smem:$0x3FA6] =	sst s0;
	s0 =	simm.s32 @!p2 $0x0  }
0x16: {  	s3 =	sld [smem:$0x3FDB];
	s0 =	simm.s32 @p2 $0x1  }
0x17: {  	s4 =	simm.s32 $0x1BF5;
	[smem:$0x3FA8] =	sst s0  }
0x18: {  	s0 =	sld [smem:$0x3F8B];
	_ =	swait.ge [sflag:s4], $0x0  }
0x19: {  	s7 =	sld [smem:$0x3F8C]  }
0x1a: {  	s8 =	sadd.s32 $0xFFFFE003, lr  }
0x1b: {  	s9 =	sadd.s32 $0xFFFFFEF7, lr;
	s5 =	simm.s32 $0xFFFFFFFF;
	p2 =	slt.u32 s8, $0xFFFFF086  }
0x1c: {  	p1 =	slt.u32 s9, $0xF7A;
	s5 =	simm.s32 @!p2 $0x0  }
0x1d: {  	s5 =	simm.s32 @p1 $0x1;
	p0 =	seq.s32 s7, s2  }
0x1e: {  	s7 =	smul.u32 @!p0 $0xF7A, s2;
	p2 =	seq.s32 @!p0 s5, $0x0  }
0x1f: {  	s9 =	smul.u32 $0xF7A, s1;
	s8 =	simm.s32 @!p0 $0x1BF5;
	p2 =	por !p2, p0  }
0x20: {  	[sflag:s8] =	ssyncset.s32 @!p0 $0xFFFFF086;
	s6 =	sadd.s32 @!p0 s3, s7;
	s7 =	simm.s32 @!p0 $0x108  }
0x21: {  	s3 =	sadd.s32 s3, s9;
	s6 =	sadd.s32 @!p0 $0x88, s6;
	s7 =	simm.s32 @p2 $0x1082  }
0x22: {  	[simem:s7], [sflag:s8] =	dma.local @!p0 [hbm:s6], $0xF7A  }
0x23: {  	s9 =	sor.u32 $0xD0000000, s2;
	s6 =	simm.s32 $0x108;
	_ =	swait.ge @!p0 [sflag:s8], $0x0  }
0x24: {  	s3 =	sadd.s32 $0x88, s3;
	s6 =	simm.s32 @!p1 $0x1082;
	[sflag:s4] =	ssyncset.s32 $0xFFFFF086  }
0x25: {  	[simem:s6], [sflag:s4] =	dma.local [hbm:s3], $0xF7A  }
0x26: {  	[smem:$0x3F8C] =	sst s1;
	(tag) =	ssettag s2;
	_ =	strace s9  }
0x27: {  	s1 =	sld [smem:$0x3F9C]  }
0x28: {  	s2 =	sld [smem:$0x3F9D]  }
0x29: {  	s4 =	sld [smem:$0x3F9F]  }
0x2a: {  	p0 =	seq.s32 s5, $0x0;
	s5 =	sld [smem:$0x3FA0]  }
0x2b: {  	s6 =	sld [smem:$0x3FA1]  }
0x2c: {  	s7 =	sld [smem:$0x3FA2]  }
0x2d: {  	s3 =	simm.s32 $0x108;
	s8 =	sld [smem:$0x3FA3]  }
0x2e: {  	s3 =	simm.s32 @!p0 $0x1082;
	s9 =	sld [smem:$0x3FA4]  }
0x2f: {  	lr =	sadd.s32 s0, s3;
	s0 =	sld [smem:$0x3F9B]  }
0x30: {  	s3 =	sld [smem:$0x3F9E]  }
0x31: {  	[smem:$0x3FA7] =	sst s10  }
0x32: {  	s10 =	sld [smem:$0x3FA5];
	_ =	sdelay $0x3  }
0x33: {  	p0 =	seq.s32 s10, $0x1;
	s10 =	sld [smem:$0x3FA7];
	_ =	sdelay $0x3  }
0x34: {  	[smem:$0x3FA7] =	sst s10  }
0x35: {  	s10 =	sld [smem:$0x3FA6];
	_ =	sdelay $0x3  }
0x36: {  	p1 =	seq.s32 s10, $0x1;
	s10 =	sld [smem:$0x3FA7];
	_ =	sdelay $0x3  }
0x37: {  	[smem:$0x3FA7] =	sst s10  }
0x38: {  	s10 =	sld [smem:$0x3FA8]  }
0x39: {  	_ = 	snop;
	(pc) =	sbr.ind lr, $3  }
0x3a: {  	_ = 	snop  }
0x3b: {  	_ = 	snop  }
0x3c: {  	p2 =	seq.s32 s10, $0x1;
	s10 =	sld [smem:$0x3FA7]  }
0x3d: {  	_ =	shalt  }
0x3e: {  	_ =	shalt  }
0x3f: {  	_ =	shalt  }
0x40: {  	_ =	shalt  }
0x41: {  	_ =	shalt  }
0x42: {  	_ =	shalt  }
0x43: {  	_ =	shalt  }
0x44: {  	_ =	shalt  }
0x45: {  	_ =	shalt  }
0x46: {  	_ =	shalt  }
0x47: {  	_ =	shalt  }
0x48: {  	_ =	shalt  }
0x49: {  	_ =	shalt  }
0x4a: {  	_ =	shalt  }
0x4b: {  	_ =	shalt  }
0x4c: {  	_ =	shalt  }
0x4d: {  	_ =	shalt  }
0x4e: {  	_ =	shalt  }
0x4f: {  	_ =	shalt  }
0x50: {  	_ =	shalt  }
0x51: {  	_ =	shalt  }
0x52: {  	_ =	shalt  }
0x53: {  	_ =	shalt  }
0x54: {  	_ =	shalt  }
0x55: {  	_ =	shalt  }
0x56: {  	_ =	shalt  }
0x57: {  	_ =	shalt  }
0x58: {  	_ =	shalt  }
0x59: {  	_ =	shalt  }
0x5a: {  	_ =	shalt  }
0x5b: {  	_ =	shalt  }
0x5c: {  	_ =	shalt  }
0x5d: {  	_ =	shalt  }
0x5e: {  	_ =	shalt  }
0x5f: {  	_ =	shalt  }
0x60: {  	_ =	shalt  }
0x61: {  	_ =	shalt  }
0x62: {  	_ =	shalt  }
0x63: {  	_ =	shalt  }
0x64: {  	_ =	shalt  }
0x65: {  	_ =	shalt  }
0x66: {  	_ =	shalt  }
0x67: {  	_ =	shalt  }
0x68: {  	_ =	shalt  }
0x69: {  	_ =	shalt  }
0x6a: {  	_ =	shalt  }
0x6b: {  	_ =	shalt  }
0x6c: {  	_ =	shalt  }
0x6d: {  	_ =	shalt  }
0x6e: {  	_ =	shalt  }
0x6f: {  	_ =	shalt  }
0x70: {  	_ =	shalt  }
0x71: {  	_ =	shalt  }
0x72: {  	_ =	shalt  }
0x73: {  	_ =	shalt  }
0x74: {  	_ =	shalt  }
0x75: {  	_ =	shalt  }
0x76: {  	_ =	shalt  }
0x77: {  	_ =	shalt  }
0x78: {  	_ =	shalt  }
0x79: {  	_ =	shalt  }
0x7a: {  	_ =	shalt  }
0x7b: {  	_ =	shalt  }
0x7c: {  	_ =	shalt  }
0x7d: {  	_ =	shalt  }
0x7e: {  	_ =	shalt  }
0x7f: {  	_ =	shalt  }
0x80: {  	_ =	shalt  }
0x81: {  	_ =	shalt  }
0x82: {  	_ =	shalt  }
0x83: {  	_ =	shalt  }
0x84: {  	_ =	shalt  }
0x85: {  	_ =	shalt  }
0x86: {  	_ =	shalt  }
0x87: {  	_ =	shalt  }
.Lfunc_end0:
.L_simem_size_0:
called_computation_lowered:
.L_overlay_start_0:
0x88: {  	s2 =	sld [smem:$0x3FD9]  }
0x89: {  	s3 =	sld [smem:$0x3FFE];
	_ =	sdelay $0x1  }
0x8a: {  	s1 =	srdreg.scid  }
0x8b: {  	s0 =	sand.u32 $0x1, s1  }
0x8c: {  	s16 =	sshll.u32 s0, $0xA;
	s2 =	sadd.s32 s3, s2  }
0x8d: {  	s2 =	sadd.s32 s2, s16  }
0x8e: {  	[smem:$0x3FB3] =	sst s2  }
0x8f: {  	_ = 	snop  }
0x90: {  	(tm) =	ssettm $0x1  }
0x91: {  	s17 =	sld [smem:$0x3FFB];
	_ =	sdelay $0x3  }
0x92: {  	_ =	strace s17  }
0x93: {  	s2 =	sld [smem:$0x3FFC];
	_ =	sdelay $0x3  }
0x94: {  	_ =	strace s2  }
0x95: {  	s2 =	sld [smem:$0x3FFD];
	_ =	sdelay $0x3  }
0x96: {  	_ =	strace s2  }
0x97: {  	_ =	strace $0x8FFFFFFF  }
0x98: {  	s18 =	sld [smem:$0x3FDB];
	_ =	sdelay $0x1  }
0x99: {  	s19 =	simm.s32 $_scs_section_size  }
0x9a: {  	s4 =	simm.s32 $_size__tile_overlayer_lowered;
	s5 =	simm.s32 $_tile_overlayer_lowered  }
0x9b: {  	s22 =	simm.s32 $0x1BFF;
	s21 =	sshll.u32 s5, $0x1;
	s2 =	sadd.s32 s19, s18  }
0x9c: {  	s6 =	simm.s32 $0x0;
	s20 =	sshll.u32 s4, $0x1;
	s4 =	sadd.s32 s21, s2  }
0x9d: {  	[timem:s6], [sflag:s22] =	dma.local [hbm:s4], s20  }
0x9e: {  	_ =	swait.ge [sflag:s22], s20  }
0x9f: {  	s3 =	ssub.s32 $0x0, s20;
	[sflag:s22] =	ssyncset.done $0x0  }
0xa0: {  	[sflag:s22] =	ssyncadd.s32 s3;
	_ =	sdelay $0x1  }
0xa1: {  	s23 =	simm.s32 $0x1B8B  }
0xa2: {  	_ =	swait.ge [sflag:s23], $0x1  }
0xa3: {  	[sflag:s23] =	ssyncset.done $0x0  }
0xa4: {  	s25 =	simm.s32 $0x1B8E;
	s24 =	sld [smem:$0x3FFE];
	[sflag:s23] =	ssyncadd.s32 $0xFFFFFFFF  }
0xa5: {  	s26 =	simm.s32 $execute0_lowered;
	[smem:$0x3FD2] =	sst s25  }
0xa6: {  	s4 =	sshll.u32 s26, $0x1;
	_ =	strace $0x80000046;
	[dreg:$0x1] =	wrdreg $0xFFFFFFFF  }
0xa7: {  	s28 =	simm.s32 $_size_execute0_lowered;
	s2 =	sadd.s32 s2, s4;
	[dreg:$0x0] =	wrdreg $0x0  }
0xa8: {  	s4 =	sshll.u32 s28, $0x1;
	[dreg:$0x2] =	wrdreg s2  }
0xa9: {  	[dreg:$0x3] =	wrdreg s4  }
0xaa: {  	[dreg:$0x4] =	wrdreg $0xC0  }
0xab: {  	_ =	task [dreg:s6], $0x5FFFF  }
0xac: {  	[dreg:$0x1] =	wrdreg $0xFFFFFFFF  }
0xad: {  	[dreg:$0x0] =	wrdreg $0x60  }
0xae: {  	[dreg:$0x2] =	wrdreg s24  }
0xaf: {  	[dreg:$0x3] =	wrdreg $0x9  }
0xb0: {  	_ =	task.clear_ibuf [dreg:s6], $0x4FFFF;
	_ =	strace $0x90000046  }
0xb1: {  	s29 =	simm.s32 $0x9;
	_ =	strace $0x80000048  }
0xb2: {  	_ =	swait.ge [sflag:s29], $0x1  }
0xb3: {  	[sflag:s29] =	ssyncadd.s32 $0xFFFFFFFF  }
0xb4: {  	_ =	strace $0x90000048  }
0xb5: {  	_ =	sfence  }
0xb6: {  	s30 =	sld [smem:$0x0];
	_ =	sdelay $0x2  }
0xb7: {  	s31 =	sshll.u32 s1, $0xD;
	s1 =	sshrl.u32 s1, $0x2  }
0xb8: {  	s3 =	sand.u32 $0x4000, s31;
	s1 =	sadd.s32 s1, s30  }
0xb9: {  	s0 =	sor.u32 s3, s0;
	s1 =	sshll.u32 s1, $0x11  }
0xba: {  	s0 =	sor.u32 s1, s0  }
0xbb: {  	s0 =	sadd.s32 $0x8F2B, s0  }
0xbc: {  	[sflag:s0] =	ssyncadd.remote.s32 $0x1  }
0xbd: {  	_ =	sfence.sel $0xFFFF  }
0xbe: {  	[dreg:$0x0] =	wrdreg $0xFFFFFFFF;
	(pc) =	sbr.abs _section_cstart, $3  }
0xbf: {  	[dreg:$0x1] =	wrdreg $0xFFFFFFFF  }
0xc0: {  	_ =	task.clear_ibuf [dreg:s6], $0x2FFFF;
	_ =	strace $0x9FFFFFFF  }
0xc1: {  	(tm) =	ssettm $0x7FFFFFFF  }
tec
execute0_lowered:
.L_overlay_start_1:
0x0: {  	(tag) =	ssettag $0x1  }
0x1: {  	s1 =	srdreg.scid  }
0x2: {  	s3 =	sand.u32 $0x1, s1;
	s1 =	stileid.u32  }
0x3: {  	s4 =	sshll.u32 s1, $0x1;
	s5 =	ssub.s32 $0x0, s3  }
0x4: {  	p0 =	sne.s32 s4, s5  }
.Ltmp0:
0x5: {  	_ = 	snop;
	(pc) =	sbr.rel @p0 .LBB2_7-.Ltmp0, $4  }
0x6: {  	_ = 	snop  }
0x7: {  	s8 =	rddreg [dreg:$0x0];
	s2 =	simm.s32 $0x0  }
0x8: {  	[smem:$0x7FF] =	sst s2  }
0x9: {  	s0 =	rddreg [dreg:$0x1];
	_ =	strace $0x80000047  }
0xa: {  	s7 =	ssub.s32 $0x2, s3;
	s3 =	sadd.s32 $0x275800, s8  }
0xb: {  	s4 =	sadd.s32 $0x27F600, s8;
	s5 =	sadd.s32 $0x4800, s8;
	s6 =	sadd.s32 $0x5E00, s8  }
0xc: {  	s10 =	simm.s32 $0x3F00;
	s11 =	simm.s32 $0x1;
	s12 =	simm.s32 $0xB700  }
0xd: {  	s13 =	simm.s32 $0x12F00;
	s14 =	simm.s32 $0x1F80;
	s9 =	sshrl.u32 s7, $0x1  }
0xe: {  	v0 =	vlaneseq.u32;
	s15 =	simm.s32 $0x0;
	s16 =	simm.s32 $0x0;
	s9 =	ssub.s32 s7, s9  }
0xf: {  	v1 =	vimm.s32 $0x1;
	v2 =	vor.u32 $0x2800, v0;
	s7 =	sadd.s32 $0x6E00, s8;
	s8 =	sadd.s32 $0x5800, s8;
	s9 =	smax.u32 s9, $0x1  }
.LBB2_2:
0x10: {  	[tilespmem:s10], [sflag:$0x1] =	stream.linear.gather [hbm4b:s5+s16], $0x7800, $0x38;
	[tilespmem:$0x15780] =	vst v63  }
0x11: {  	_ =	swait.ge [sflag:s11], $0x7800  }
0x12: {  	[sflag:s11] =	ssyncset.done $0x0  }
0x13: {  	[sflag:s11] =	ssyncadd.s32 $0xFFFF8800  }
0x14: {  	[tilespmem:s12], [sflag:$0x1] =	stream.linear.gather [hbm4b:s5+s16], $0x7800, $0x38;
	[tilespmem:$0x15780] =	vst v63  }
0x15: {  	_ =	swait.ge [sflag:s11], $0x7800  }
0x16: {  	[sflag:s11] =	ssyncset.done $0x0  }
0x17: {  	[sflag:s11] =	ssyncadd.s32 $0xFFFF8800  }
0x18: {  	[tilespmem:s13], [sflag:$0x1] =	stream.linear.gather [hbm4b:s5+s16], $0x2810, $0x38;
	[tilespmem:$0x15780] =	vst v63  }
0x19: {  	_ =	swait.ge [sflag:s11], $0x2810  }
0x1a: {  	[sflag:s11] =	ssyncset.done $0x0  }
0x1b: {  	s17 =	simm.s32 $0x0;
	s18 =	simm.s32 $0x0;
	[sflag:s11] =	ssyncadd.s32 $0xFFFFD7F0  }
.LBB2_3:
0x1c: {  	s19 =	smul.u32 $0x1F40, s18;
	_ =	sdelay $0x1  }
0x1d: {  	s19 =	sshrl.u32 s19, $0x3  }
0x1e: {  	s20 =	sadd.s32 s3, s19  }
0x1f: {  	[tilespmem:s16], [sflag:$0x1] =	stream.linear.gather [hbm4b:s20+s16], $0x1F40, $0x38;
	[tilespmem:$0x15780] =	vst v63  }
0x20: {  	_ =	swait.ge [sflag:s11], $0x1F40  }
0x21: {  	[sflag:s11] =	ssyncset.done $0x0  }
0x22: {  	s19 =	sadd.s32 s4, s19;
	[sflag:s11] =	ssyncadd.s32 $0xFFFFE0C0  }
0x23: {  	[tilespmem:s14], [sflag:$0x1] =	stream.linear.gather [hbm4b:s19+s16], $0x1F40, $0x38;
	[tilespmem:$0x15780] =	vst v63  }
0x24: {  	_ =	swait.ge [sflag:s11], $0x1F40  }
0x25: {  	[sflag:s11] =	ssyncset.done $0x0  }
0x26: {  	s30 =	simm.s32 $0x0;
	[sflag:s11] =	ssyncadd.s32 $0xFFFFE0C0  }
0x27: {  	v3 =	vld [tilespmem:s30+$0x0]  }
0x28: {  	v4 =	vld [tilespmem:s30+$0x1F80];
	_ =	sdelay $0x4  }
0x29: {  	vm0 =	vne.s32 v3, v4  }
0x2a: {  	v5 =	vsel vm0, v3, v2  }
0x2b: {  	(xrf1) =	vunique.msk.u32 $0xffff, v5;
	_ =	sdelay $0x9  }
0x2c: {  	v6 =	vld.idx.msk [tilespmem:v5+s13+$0x0], $0xffff;
	_ =	sdelay $0x3  }
0x2d: {  	_, v7, _ =	vpop (xrf1)  }
0x2e: {  	v6 =	vadd.s32 v7, v6  }
0x2f: {  	v6 =	vadd.s32 $0xFFFFFFFF, v6  }
0x30: {  	vm1 =	vgt.s32 v6, $0x0  }
0x31: {  	v3 =	vmul.u32 $0x3, v3;
	vm2 =	vlt.s32 v6, $0x3;
	v6 =	vnsel vm1, $0x0, v6  }
0x32: {  	vm0 =	vmand vm0, vm2;
	v6 =	vmin.u32 v6, $0x2  }
0x33: {  	v3 =	vadd.s32 v3, v6;
	_ =	sdelay $0x3  }
0x34: {  	v6 =	vor.u32 s17, v0  }
0x35: {  	v6 =	vshrl.u32 v6, $0x1;
	[tilespmem:v3+s10+$0x0] =	vst.idx.msk vm0, v4  }
0x36: {  	[tilespmem:v3+s12+$0x0] =	vst.idx.msk vm0, v6  }
0x37: {  	s31 =	simm.s32 $0x10;
	[tilespmem:v5+s13+$0x0] =	vst.idx.add.s32.msk $0xffff, v1  }
0x38: {  	v4 =	vld [tilespmem:s31+$0x0]  }
0x39: {  	v3 =	vld [tilespmem:s31+$0x1F80]  }
0x3a: {  	s20 =	simm.s32 $0x80;
	s19 =	smov.u32 s17  }
.LBB2_4:
0x3b: {  	p0 =	sne.s32 s20, $0x7CC0;
	_ =	sdelay $0x2  }
0x3c: {  	vm0 =	vne.s32 v4, v3  }
0x3d: {  	v5 =	vsel vm0, v4, v2  }
0x3e: {  	(xrf1) =	vunique.msk.u32 $0xffff, v5;
	_ =	sdelay $0x8  }
0x3f: {  	v6 =	vld.idx.msk [tilespmem:v5+s13+$0x0], $0xffff;
	_ =	sdelay $0x4  }
0x40: {  	_, v7, _ =	vpop (xrf1)  }
0x41: {  	v6 =	vadd.s32 v7, v6  }
0x42: {  	v6 =	vadd.s32 $0xFFFFFFFF, v6  }
0x43: {  	vm1 =	vgt.s32 v6, $0x0  }
0x44: {  	v4 =	vmul.u32 $0x3, v4;
	vm2 =	vlt.s32 v6, $0x3;
	v6 =	vnsel vm1, $0x0, v6  }
0x45: {  	vm0 =	vmand vm0, vm2;
	v6 =	vmin.u32 v6, $0x2  }
0x46: {  	v4 =	vadd.s32 v4, v6;
	_ =	sdelay $0x2  }
0x47: {  	s19 =	sadd.s32 $0x10, s19  }
0x48: {  	v6 =	vor.u32 s19, v0  }
0x49: {  	v6 =	vshrl.u32 v6, $0x1;
	[tilespmem:v4+s10+$0x0] =	vst.idx.msk vm0, v3  }
.Ltmp1:
0x4a: {  	[tilespmem:v4+s12+$0x0] =	vst.idx.msk vm0, v6;
	(pc) =	sbr.rel @p0 .LBB2_4-.Ltmp1, $4  }
0x4b: {  	s21 =	sshra.s32 s20, $0x2;
	[tilespmem:v5+s13+$0x0] =	vst.idx.add.s32.msk $0xffff, v1  }
0x4c: {  	v4 =	vld [tilespmem:s21+$0x0]  }
0x4d: {  	v3 =	vld [tilespmem:s21+$0x1F80]  }
0x4e: {  	s20 =	sadd.s32 $0x40, s20  }
0x4f: {  	_ =	sdelay $0x2  }
0x50: {  	vm0 =	vne.s32 v4, v3  }
0x51: {  	v5 =	vsel vm0, v4, v2  }
0x52: {  	(xrf1) =	vunique.msk.u32 $0xffff, v5;
	_ =	sdelay $0x9  }
0x53: {  	v6 =	vld.idx.msk [tilespmem:v5+s13+$0x0], $0xffff;
	_ =	sdelay $0x3  }
0x54: {  	_, v7, _ =	vpop (xrf1)  }
0x55: {  	v6 =	vadd.s32 v7, v6  }
0x56: {  	v6 =	vadd.s32 $0xFFFFFFFF, v6  }
0x57: {  	vm1 =	vgt.s32 v6, $0x0  }
0x58: {  	v62 =	vmul.u32 $0x3, v4;
	vm2 =	vlt.s32 v6, $0x3;
	v6 =	vnsel vm1, $0x0, v6  }
0x59: {  	vm0 =	vmand vm0, vm2;
	v6 =	vmin.u32 v6, $0x2  }
0x5a: {  	v4 =	vadd.s32 v62, v6  }
0x5b: {  	s18 =	sadd.s32 $0x1, s18  }
0x5c: {  	p0 =	sne.s32 s18, $0x28  }
.Ltmp2:
0x5d: {  	s19 =	sadd.s32 $0x10, s19;
	(pc) =	sbr.rel @p0 .LBB2_3-.Ltmp2, $4  }
0x5e: {  	v63 =	vor.u32 s19, v0  }
0x5f: {  	v6 =	vshrl.u32 v63, $0x1;
	[tilespmem:v4+s10+$0x0] =	vst.idx.msk vm0, v3  }
0x60: {  	[tilespmem:v4+s12+$0x0] =	vst.idx.msk vm0, v6  }
0x61: {  	s17 =	sadd.s32 $0x1F40, s17;
	[tilespmem:v5+s13+$0x0] =	vst.idx.add.s32.msk $0xffff, v1  }
0x62: {  	[hbm4b:s6+s2] =	stream.linear.scatter [tilespmem:s10], [sflag:$0x1], $0x7800, $0x38;
	[tilespmem:$0x15780] =	vst v63  }
0x63: {  	_ =	swait.ge [sflag:s11], $0x7800  }
0x64: {  	[sflag:s11] =	ssyncset.done $0x0  }
0x65: {  	[sflag:s11] =	ssyncadd.s32 $0xFFFF8800  }
0x66: {  	[hbm4b:s7+s2] =	stream.linear.scatter [tilespmem:s12], [sflag:$0x1], $0x7800, $0x38;
	[tilespmem:$0x15780] =	vst v63  }
0x67: {  	s15 =	sadd.s32 $0x1, s15;
	_ =	swait.ge [sflag:s11], $0x7800  }
0x68: {  	p0 =	sne.s32 s15, s9;
	[sflag:s11] =	ssyncset.done $0x0  }
.Ltmp3:
0x69: {  	[sflag:s11] =	ssyncadd.s32 $0xFFFF8800;
	(pc) =	sbr.rel @p0 .LBB2_2-.Ltmp3, $4  }
0x6a: {  	[hbm4b:s8+s2] =	stream.linear.scatter [tilespmem:s13], [sflag:$0x1], $0x2800, $0x38;
	[tilespmem:$0x15780] =	vst v63  }
0x6b: {  	_ =	swait.ge [sflag:s11], $0x2800  }
0x6c: {  	[sflag:s11] =	ssyncset.done $0x0  }
0x6d: {  	[sflag:s11] =	ssyncadd.s32 $0xFFFFD800  }
.LBB2_7:
0x6e: {  	_ =	sfence.sel $0x180000  }
0x6f: {  	[bflag:$0x0] =	sbarrier.arrive $0xFFFF  }
0x70: {  	p0 =	sne.s32 s1, $0x0;
	_ =	strace $0x90000047  }
0x71: {  	s0 =	sadd.s32 @!p0 $0x100000, s0;
	[bflag:$0x2] =	sbarrier.arrive $0xFFFF  }
0x72: {  	[sflag:s0] =	ssyncadd.tile.s32 @!p0 $0x1;
	_ =	shalt  }
.Lfunc_end2:
_tile_overlayer_lowered:
.L_overlay_start_2:
0x73: {  	(tag) =	ssettag $0x2  }
0x74: {  	s0 =	rddreg [dreg:$0x0];
	s2 =	stileid.u32  }
0x75: {  	s1 =	rddreg [dreg:$0x1];
	p0 =	sne.s32 s2, $0x0  }
0x76: {  	s3 =	rddreg [dreg:$0x2];
	[bflag:$0x3] =	sbarrier.arrive $0xFFFF;
	s2 =	simm.s32 @!p0 $0x1C01  }
0x77: {  	[timem:s3], [sflag:s2] =	dma.local @!p0 [hbm:s0], s1  }
0x78: {  	s0 =	simm.s32 @!p0 $0x1  }
0x79: {  	_ =	swait.ge @!p0 [sflag:s0], s1  }
0x7a: {  	s1 =	ssub.s32 @!p0 $0x0, s1;
	[sflag:s0] =	ssyncset.done @!p0 $0x0  }
0x7b: {  	[sflag:s0] =	ssyncadd.s32 @!p0 s1  }
0x7c: {  	[bflag:$0x3] =	sbarrier.arrive $0xFFFF  }
0x7d: {  	_ =	shalt  }

</sc_bundles>
